<compile_context>
chip_gen: v7x
topology: tpu7x:2x2x1
jax: 0.10.2.dev20260603
libtpu: 0.0.44.dev20260713+nightly
codegen_flags: <defaults>
</compile_context>

<pallas_src>
import functools

import jax
import jax.numpy as jnp
from jax import lax
from jax.experimental import pallas as pl
from jax.experimental.pallas import tpu as pltpu
from jax.experimental.pallas import tpu_sc as plsc

NC, NS = 2, 16
NW = NC * NS
CHUNK = 128
NBUF = 8


def _gather_rows(table, idx_flat, B, D):
    b_per_w = B // NW
    n_chunks = b_per_w // CHUNK
    n_groups = n_chunks // NBUF
    assert n_chunks % NBUF == 0 and n_groups >= 3
    mesh = plsc.VectorSubcoreMesh(
        core_axis_name="c", subcore_axis_name="s",
        num_cores=NC, num_subcores=NS)

    @functools.partial(
        pl.kernel,
        out_type=jax.ShapeDtypeStruct((B, D), jnp.float32),
        mesh=mesh,
        compiler_params=pltpu.CompilerParams(use_tc_tiling_on_sc=False),
        scratch_types=[
            pltpu.VMEM((b_per_w,), jnp.int32),
            pltpu.VMEM((NBUF, CHUNK, D), jnp.float32),
            [pltpu.SemaphoreType.DMA] * NBUF,
            [pltpu.SemaphoreType.DMA] * NBUF,
        ],
    )
    def k(table_hbm, idx_hbm, out_hbm, idx_v, rows_v, gsems, osems):
        wid = lax.axis_index("s") * NC + lax.axis_index("c")
        base = wid * b_per_w

        pltpu.sync_copy(idx_hbm.at[pl.ds(base, b_per_w)], idx_v)

        def start_gather(c, s):
            pltpu.async_copy(table_hbm.at[idx_v.at[pl.ds(c * CHUNK, CHUNK)]],
                             rows_v.at[s], gsems[s])

        def wait_gather(c, s):
            pltpu.make_async_copy(
                table_hbm.at[idx_v.at[pl.ds(c * CHUNK, CHUNK)]],
                rows_v.at[s], gsems[s]).wait()

        def start_store(c, s):
            pltpu.async_copy(rows_v.at[s],
                             out_hbm.at[pl.ds(base + c * CHUNK, CHUNK)],
                             osems[s])

        def wait_store(c, s):
            pltpu.make_async_copy(
                rows_v.at[s],
                out_hbm.at[pl.ds(base + c * CHUNK, CHUNK)],
                osems[s]).wait()

        for s in range(NBUF):
            start_gather(s, s)
        wait_gather(0, 0)
        start_store(0, 0)
        for s in range(1, NBUF):
            wait_store(s - 1, s - 1)
            start_gather(s - 1 + NBUF, s - 1)
            wait_gather(s, s)
            start_store(s, s)

        def body(j, carry):
            for s in range(NBUF):
                c = j * NBUF + s
                sp = (s - 1) % NBUF
                wait_store(c - 1, sp)
                start_gather(c - 1 + NBUF, sp)
                wait_gather(c, s)
                start_store(c, s)
            return carry

        lax.fori_loop(1, n_groups - 1, body, 0, unroll=False)

        for s in range(NBUF):
            c = (n_groups - 1) * NBUF + s
            sp = (s - 1) % NBUF
            wait_store(c - 1, sp)
            if s == 0:
                start_gather(c - 1 + NBUF, sp)
            wait_gather(c, s)
            start_store(c, s)
        wait_store(n_chunks - 1, NBUF - 1)

    return k(table, idx_flat)


def kernel(encoding, ix):
    B = ix.shape[0] * ix.shape[1]
    D = encoding.shape[1]
    idx_flat = ix.astype(jnp.int32).reshape(B)
    out = _gather_rows(encoding, idx_flat, B, D)
    return out.reshape(ix.shape[0], ix.shape[1], D)

# --- scband reference (transcript-rebuilt; emitter-appended) ---
"""Pipeline reference for scband-fixed-sinusoidal-embedding-38826504356267 (READ-ONLY COPY).

The authoritative reference and input builder live on the scoring server;
editing this copy changes nothing except your own understanding.
"""

import jax, jax.numpy as jnp
import numpy as np

MAX_INDEX = 100000
EMBED_DIM = 64


def make_sinusoidal_encoding(max_index, embedding_dim, k=10000.0):
    ix = jnp.arange(max_index, dtype=jnp.float32)
    dims = jnp.arange(embedding_dim, dtype=jnp.float32)
    angles = ix[:, None] / (k ** (2.0 * jnp.floor(dims / 2.0) / embedding_dim))
    enc = jnp.zeros((max_index, embedding_dim), dtype=jnp.float32)
    enc = enc.at[:, 0::2].set(jnp.sin(angles[:, 0::2]))
    enc = enc.at[:, 1::2].set(jnp.cos(angles[:, 1::2]))
    return enc


def setup_inputs(seed: int = 0) -> dict:
    key = jax.random.key(seed)
    k_ix = jax.random.fold_in(key, 1)
    ix = jax.random.randint(k_ix, (4096, 200), 0, MAX_INDEX, dtype=jnp.int64 if jax.config.jax_enable_x64 else jnp.int32)
    encoding = make_sinusoidal_encoding(MAX_INDEX, EMBED_DIM)
    return {"encoding": encoding, "ix": ix}


def reference(encoding, ix):
    # FixedSinusoidalEmbedding.forward with default shape=torch.Size([]):
    # self.encoding[ix].expand(*ix.size(), self.embedding_dim) == encoding[ix]
    out = jnp.take(encoding, ix, axis=0)
    return out

if __name__ == "__main__":
    import jax
    _d = setup_inputs()
    print(jax.jit(kernel)(*tuple(_d.values())))

</pallas_src>

<mosaic_0001>
#map = affine_map<(d0, d1) -> (0, 0)>
#map1 = affine_map<(d0, d1) -> (0)>
module attributes {stable_mosaic.version = 14 : i64} {
  func.func @k(%arg0: i32, %arg1: i32, %arg2: memref<100000x64xf32, #tpu.memory_space<hbm>>, %arg3: memref<819200xi32, #tpu.memory_space<hbm>>, %arg4: memref<819200x64xf32, #tpu.memory_space<hbm>>, %arg5: memref<25600xi32, #tpu.memory_space<vmem>>, %arg6: memref<8x128x64xf32, #tpu.memory_space<vmem>>, %arg7: memref<!tpu.dma_semaphore, #tpu.memory_space<semaphore_mem>>, %arg8: memref<!tpu.dma_semaphore, #tpu.memory_space<semaphore_mem>>, %arg9: memref<!tpu.dma_semaphore, #tpu.memory_space<semaphore_mem>>, %arg10: memref<!tpu.dma_semaphore, #tpu.memory_space<semaphore_mem>>, %arg11: memref<!tpu.dma_semaphore, #tpu.memory_space<semaphore_mem>>, %arg12: memref<!tpu.dma_semaphore, #tpu.memory_space<semaphore_mem>>, %arg13: memref<!tpu.dma_semaphore, #tpu.memory_space<semaphore_mem>>, %arg14: memref<!tpu.dma_semaphore, #tpu.memory_space<semaphore_mem>>, %arg15: memref<!tpu.dma_semaphore, #tpu.memory_space<semaphore_mem>>, %arg16: memref<!tpu.dma_semaphore, #tpu.memory_space<semaphore_mem>>, %arg17: memref<!tpu.dma_semaphore, #tpu.memory_space<semaphore_mem>>, %arg18: memref<!tpu.dma_semaphore, #tpu.memory_space<semaphore_mem>>, %arg19: memref<!tpu.dma_semaphore, #tpu.memory_space<semaphore_mem>>, %arg20: memref<!tpu.dma_semaphore, #tpu.memory_space<semaphore_mem>>, %arg21: memref<!tpu.dma_semaphore, #tpu.memory_space<semaphore_mem>>, %arg22: memref<!tpu.dma_semaphore, #tpu.memory_space<semaphore_mem>>) attributes {dimension_semantics = [#tpu.dimension_semantics<core_parallel>, #tpu.dimension_semantics<subcore_parallel>], iteration_bounds = array<i64: 2, 16>, scalar_prefetch = 0 : i64, scratch_operands = 18 : i64, tpu.core_type = #tpu.core_type<sc_vector_subcore>, window_params = [{transform_indices = #map}, {transform_indices = #map1}, {transform_indices = #map}]} {
    %mul3A = arith.constant 2 : i32
    %mul3A_0 = arith.muli %arg1, %mul3A : i32
    %add3A = arith.addi %mul3A_0, %arg0 : i32
    %mul3A_1 = arith.constant 25600 : i32
    %mul3A_2 = arith.muli %add3A, %mul3A_1 : i32
    "tpu.region"() ({
      %run_scoped3A = tpu.sem_alloc : memref<!tpu.dma_semaphore, #tpu.memory_space<semaphore_mem>>
      %dma_start3A_806 = tpu.memref_slice %arg3[%mul3A_2] : memref<819200xi32, #tpu.memory_space<hbm>> -> memref<25600xi32, #tpu.memory_space<hbm>>
      %dma_start3A_807 = tpu.memref_slice %arg3[%mul3A_2] : memref<819200xi32, #tpu.memory_space<hbm>> -> memref<25600xi32, #tpu.memory_space<hbm>>
      tpu.enqueue_dma source(%dma_start3A_807 : memref<25600xi32, #tpu.memory_space<hbm>>) target(%arg5 : memref<25600xi32, #tpu.memory_space<vmem>>) target_semaphore(%run_scoped3A : memref<!tpu.dma_semaphore, #tpu.memory_space<semaphore_mem>>)
      %dma_wait3A_808 = tpu.memref_slice %arg3[%mul3A_2] : memref<819200xi32, #tpu.memory_space<hbm>> -> memref<25600xi32, #tpu.memory_space<hbm>>
      %dma_wait3A_809 = tpu.memref_slice %arg3[%mul3A_2] : memref<819200xi32, #tpu.memory_space<hbm>> -> memref<25600xi32, #tpu.memory_space<hbm>>
      tpu.wait_dma2 semaphore(%run_scoped3A : memref<!tpu.dma_semaphore, #tpu.memory_space<semaphore_mem>>) src(%dma_wait3A_809 : memref<25600xi32, #tpu.memory_space<hbm>>) dst(%arg5 : memref<25600xi32, #tpu.memory_space<vmem>>)
      tpu.yield
    }) : () -> ()
    %dma_start3A = arith.constant 0 : i32
    %dma_start3A_3 = arith.constant 0 : i32
    %dma_start3A_4 = arith.constant 0 : i32
    %dma_start3A_5 = tpu.memref_slice %arg6[%dma_start3A, %dma_start3A_3, %dma_start3A_4] : memref<8x128x64xf32, #tpu.memory_space<vmem>> -> memref<1x128x64xf32, #tpu.memory_space<vmem>>
    %dma_start3A_6 = tpu.memref_squeeze %dma_start3A_5 : memref<1x128x64xf32, #tpu.memory_space<vmem>> -> memref<128x64xf32, #tpu.memory_space<vmem>>
    %dma_start3A_7 = arith.constant 0 : i32
    %dma_start3A_8 = tpu.memref_slice %arg5[%dma_start3A_7] : memref<25600xi32, #tpu.memory_space<vmem>> -> memref<128xi32, #tpu.memory_space<vmem>>
    %dma_start3A_9 = arith.constant 0 : i32
    %dma_start3A_10 = arith.constant 0 : i32
    %dma_start3A_11 = tpu.memref_slice %arg2[%dma_start3A_9, %dma_start3A_10] : memref<100000x64xf32, #tpu.memory_space<hbm>> -> memref<100000x64xf32, #tpu.memory_space<hbm>>
    tpu.enqueue_indirect_dma source(%dma_start3A_11 : memref<100000x64xf32, #tpu.memory_space<hbm>>) target(%dma_start3A_6 : memref<128x64xf32, #tpu.memory_space<vmem>>) offsets(%dma_start3A_8 : memref<128xi32, #tpu.memory_space<vmem>>) semaphore(%arg7 : memref<!tpu.dma_semaphore, #tpu.memory_space<semaphore_mem>>)
    %dma_start3A_12 = arith.constant 1 : i32
    %dma_start3A_13 = arith.constant 0 : i32
    %dma_start3A_14 = arith.constant 0 : i32
    %dma_start3A_15 = tpu.memref_slice %arg6[%dma_start3A_12, %dma_start3A_13, %dma_start3A_14] : memref<8x128x64xf32, #tpu.memory_space<vmem>> -> memref<1x128x64xf32, #tpu.memory_space<vmem>>
    %dma_start3A_16 = tpu.memref_squeeze %dma_start3A_15 : memref<1x128x64xf32, #tpu.memory_space<vmem>> -> memref<128x64xf32, #tpu.memory_space<vmem>>
    %dma_start3A_17 = arith.constant 128 : i32
    %dma_start3A_18 = tpu.memref_slice %arg5[%dma_start3A_17] : memref<25600xi32, #tpu.memory_space<vmem>> -> memref<128xi32, #tpu.memory_space<vmem>>
    %dma_start3A_19 = arith.constant 0 : i32
    %dma_start3A_20 = arith.constant 0 : i32
    %dma_start3A_21 = tpu.memref_slice %arg2[%dma_start3A_19, %dma_start3A_20] : memref<100000x64xf32, #tpu.memory_space<hbm>> -> memref<100000x64xf32, #tpu.memory_space<hbm>>
    tpu.enqueue_indirect_dma source(%dma_start3A_21 : memref<100000x64xf32, #tpu.memory_space<hbm>>) target(%dma_start3A_16 : memref<128x64xf32, #tpu.memory_space<vmem>>) offsets(%dma_start3A_18 : memref<128xi32, #tpu.memory_space<vmem>>) semaphore(%arg8 : memref<!tpu.dma_semaphore, #tpu.memory_space<semaphore_mem>>)
    %dma_start3A_22 = arith.constant 2 : i32
    %dma_start3A_23 = arith.constant 0 : i32
    %dma_start3A_24 = arith.constant 0 : i32
    %dma_start3A_25 = tpu.memref_slice %arg6[%dma_start3A_22, %dma_start3A_23, %dma_start3A_24] : memref<8x128x64xf32, #tpu.memory_space<vmem>> -> memref<1x128x64xf32, #tpu.memory_space<vmem>>
    %dma_start3A_26 = tpu.memref_squeeze %dma_start3A_25 : memref<1x128x64xf32, #tpu.memory_space<vmem>> -> memref<128x64xf32, #tpu.memory_space<vmem>>
    %dma_start3A_27 = arith.constant 256 : i32
    %dma_start3A_28 = tpu.memref_slice %arg5[%dma_start3A_27] : memref<25600xi32, #tpu.memory_space<vmem>> -> memref<128xi32, #tpu.memory_space<vmem>>
    %dma_start3A_29 = arith.constant 0 : i32
    %dma_start3A_30 = arith.constant 0 : i32
    %dma_start3A_31 = tpu.memref_slice %arg2[%dma_start3A_29, %dma_start3A_30] : memref<100000x64xf32, #tpu.memory_space<hbm>> -> memref<100000x64xf32, #tpu.memory_space<hbm>>
    tpu.enqueue_indirect_dma source(%dma_start3A_31 : memref<100000x64xf32, #tpu.memory_space<hbm>>) target(%dma_start3A_26 : memref<128x64xf32, #tpu.memory_space<vmem>>) offsets(%dma_start3A_28 : memref<128xi32, #tpu.memory_space<vmem>>) semaphore(%arg9 : memref<!tpu.dma_semaphore, #tpu.memory_space<semaphore_mem>>)
    %dma_start3A_32 = arith.constant 3 : i32
    %dma_start3A_33 = arith.constant 0 : i32
    %dma_start3A_34 = arith.constant 0 : i32
    %dma_start3A_35 = tpu.memref_slice %arg6[%dma_start3A_32, %dma_start3A_33, %dma_start3A_34] : memref<8x128x64xf32, #tpu.memory_space<vmem>> -> memref<1x128x64xf32, #tpu.memory_space<vmem>>
    %dma_start3A_36 = tpu.memref_squeeze %dma_start3A_35 : memref<1x128x64xf32, #tpu.memory_space<vmem>> -> memref<128x64xf32, #tpu.memory_space<vmem>>
    %dma_start3A_37 = arith.constant 384 : i32
    %dma_start3A_38 = tpu.memref_slice %arg5[%dma_start3A_37] : memref<25600xi32, #tpu.memory_space<vmem>> -> memref<128xi32, #tpu.memory_space<vmem>>
    %dma_start3A_39 = arith.constant 0 : i32
    %dma_start3A_40 = arith.constant 0 : i32
    %dma_start3A_41 = tpu.memref_slice %arg2[%dma_start3A_39, %dma_start3A_40] : memref<100000x64xf32, #tpu.memory_space<hbm>> -> memref<100000x64xf32, #tpu.memory_space<hbm>>
    tpu.enqueue_indirect_dma source(%dma_start3A_41 : memref<100000x64xf32, #tpu.memory_space<hbm>>) target(%dma_start3A_36 : memref<128x64xf32, #tpu.memory_space<vmem>>) offsets(%dma_start3A_38 : memref<128xi32, #tpu.memory_space<vmem>>) semaphore(%arg10 : memref<!tpu.dma_semaphore, #tpu.memory_space<semaphore_mem>>)
    %dma_start3A_42 = arith.constant 4 : i32
    %dma_start3A_43 = arith.constant 0 : i32
    %dma_start3A_44 = arith.constant 0 : i32
    %dma_start3A_45 = tpu.memref_slice %arg6[%dma_start3A_42, %dma_start3A_43, %dma_start3A_44] : memref<8x128x64xf32, #tpu.memory_space<vmem>> -> memref<1x128x64xf32, #tpu.memory_space<vmem>>
    %dma_start3A_46 = tpu.memref_squeeze %dma_start3A_45 : memref<1x128x64xf32, #tpu.memory_space<vmem>> -> memref<128x64xf32, #tpu.memory_space<vmem>>
    %dma_start3A_47 = arith.constant 512 : i32
    %dma_start3A_48 = tpu.memref_slice %arg5[%dma_start3A_47] : memref<25600xi32, #tpu.memory_space<vmem>> -> memref<128xi32, #tpu.memory_space<vmem>>
    %dma_start3A_49 = arith.constant 0 : i32
    %dma_start3A_50 = arith.constant 0 : i32
    %dma_start3A_51 = tpu.memref_slice %arg2[%dma_start3A_49, %dma_start3A_50] : memref<100000x64xf32, #tpu.memory_space<hbm>> -> memref<100000x64xf32, #tpu.memory_space<hbm>>
    tpu.enqueue_indirect_dma source(%dma_start3A_51 : memref<100000x64xf32, #tpu.memory_space<hbm>>) target(%dma_start3A_46 : memref<128x64xf32, #tpu.memory_space<vmem>>) offsets(%dma_start3A_48 : memref<128xi32, #tpu.memory_space<vmem>>) semaphore(%arg11 : memref<!tpu.dma_semaphore, #tpu.memory_space<semaphore_mem>>)
    %dma_start3A_52 = arith.constant 5 : i32
    %dma_start3A_53 = arith.constant 0 : i32
    %dma_start3A_54 = arith.constant 0 : i32
    %dma_start3A_55 = tpu.memref_slice %arg6[%dma_start3A_52, %dma_start3A_53, %dma_start3A_54] : memref<8x128x64xf32, #tpu.memory_space<vmem>> -> memref<1x128x64xf32, #tpu.memory_space<vmem>>
    %dma_start3A_56 = tpu.memref_squeeze %dma_start3A_55 : memref<1x128x64xf32, #tpu.memory_space<vmem>> -> memref<128x64xf32, #tpu.memory_space<vmem>>
    %dma_start3A_57 = arith.constant 640 : i32
    %dma_start3A_58 = tpu.memref_slice %arg5[%dma_start3A_57] : memref<25600xi32, #tpu.memory_space<vmem>> -> memref<128xi32, #tpu.memory_space<vmem>>
    %dma_start3A_59 = arith.constant 0 : i32
    %dma_start3A_60 = arith.constant 0 : i32
    %dma_start3A_61 = tpu.memref_slice %arg2[%dma_start3A_59, %dma_start3A_60] : memref<100000x64xf32, #tpu.memory_space<hbm>> -> memref<100000x64xf32, #tpu.memory_space<hbm>>
    tpu.enqueue_indirect_dma source(%dma_start3A_61 : memref<100000x64xf32, #tpu.memory_space<hbm>>) target(%dma_start3A_56 : memref<128x64xf32, #tpu.memory_space<vmem>>) offsets(%dma_start3A_58 : memref<128xi32, #tpu.memory_space<vmem>>) semaphore(%arg12 : memref<!tpu.dma_semaphore, #tpu.memory_space<semaphore_mem>>)
    %dma_start3A_62 = arith.constant 6 : i32
    %dma_start3A_63 = arith.constant 0 : i32
    %dma_start3A_64 = arith.constant 0 : i32
    %dma_start3A_65 = tpu.memref_slice %arg6[%dma_start3A_62, %dma_start3A_63, %dma_start3A_64] : memref<8x128x64xf32, #tpu.memory_space<vmem>> -> memref<1x128x64xf32, #tpu.memory_space<vmem>>
    %dma_start3A_66 = tpu.memref_squeeze %dma_start3A_65 : memref<1x128x64xf32, #tpu.memory_space<vmem>> -> memref<128x64xf32, #tpu.memory_space<vmem>>
    %dma_start3A_67 = arith.constant 768 : i32
    %dma_start3A_68 = tpu.memref_slice %arg5[%dma_start3A_67] : memref<25600xi32, #tpu.memory_space<vmem>> -> memref<128xi32, #tpu.memory_space<vmem>>
    %dma_start3A_69 = arith.constant 0 : i32
    %dma_start3A_70 = arith.constant 0 : i32
    %dma_start3A_71 = tpu.memref_slice %arg2[%dma_start3A_69, %dma_start3A_70] : memref<100000x64xf32, #tpu.memory_space<hbm>> -> memref<100000x64xf32, #tpu.memory_space<hbm>>
    tpu.enqueue_indirect_dma source(%dma_start3A_71 : memref<100000x64xf32, #tpu.memory_space<hbm>>) target(%dma_start3A_66 : memref<128x64xf32, #tpu.memory_space<vmem>>) offsets(%dma_start3A_68 : memref<128xi32, #tpu.memory_space<vmem>>) semaphore(%arg13 : memref<!tpu.dma_semaphore, #tpu.memory_space<semaphore_mem>>)
    %dma_start3A_72 = arith.constant 7 : i32
    %dma_start3A_73 = arith.constant 0 : i32
    %dma_start3A_74 = arith.constant 0 : i32
    %dma_start3A_75 = tpu.memref_slice %arg6[%dma_start3A_72, %dma_start3A_73, %dma_start3A_74] : memref<8x128x64xf32, #tpu.memory_space<vmem>> -> memref<1x128x64xf32, #tpu.memory_space<vmem>>
    %dma_start3A_76 = tpu.memref_squeeze %dma_start3A_75 : memref<1x128x64xf32, #tpu.memory_space<vmem>> -> memref<128x64xf32, #tpu.memory_space<vmem>>
    %dma_start3A_77 = arith.constant 896 : i32
    %dma_start3A_78 = tpu.memref_slice %arg5[%dma_start3A_77] : memref<25600xi32, #tpu.memory_space<vmem>> -> memref<128xi32, #tpu.memory_space<vmem>>
    %dma_start3A_79 = arith.constant 0 : i32
    %dma_start3A_80 = arith.constant 0 : i32
    %dma_start3A_81 = tpu.memref_slice %arg2[%dma_start3A_79, %dma_start3A_80] : memref<100000x64xf32, #tpu.memory_space<hbm>> -> memref<100000x64xf32, #tpu.memory_space<hbm>>
    tpu.enqueue_indirect_dma source(%dma_start3A_81 : memref<100000x64xf32, #tpu.memory_space<hbm>>) target(%dma_start3A_76 : memref<128x64xf32, #tpu.memory_space<vmem>>) offsets(%dma_start3A_78 : memref<128xi32, #tpu.memory_space<vmem>>) semaphore(%arg14 : memref<!tpu.dma_semaphore, #tpu.memory_space<semaphore_mem>>)
    %dma_wait3A = arith.constant 0 : i32
    %dma_wait3A_82 = arith.constant 0 : i32
    %dma_wait3A_83 = arith.constant 0 : i32
    %dma_wait3A_84 = tpu.memref_slice %arg6[%dma_wait3A, %dma_wait3A_82, %dma_wait3A_83] : memref<8x128x64xf32, #tpu.memory_space<vmem>> -> memref<1x128x64xf32, #tpu.memory_space<vmem>>
    %dma_wait3A_85 = tpu.memref_squeeze %dma_wait3A_84 : memref<1x128x64xf32, #tpu.memory_space<vmem>> -> memref<128x64xf32, #tpu.memory_space<vmem>>
    %dma_wait3A_86 = arith.constant 0 : i32
    %dma_wait3A_87 = tpu.memref_slice %arg5[%dma_wait3A_86] : memref<25600xi32, #tpu.memory_space<vmem>> -> memref<128xi32, #tpu.memory_space<vmem>>
    %dma_wait3A_88 = arith.constant 0 : i32
    %dma_wait3A_89 = arith.constant 0 : i32
    %dma_wait3A_90 = tpu.memref_slice %arg2[%dma_wait3A_88, %dma_wait3A_89] : memref<100000x64xf32, #tpu.memory_space<hbm>> -> memref<100000x64xf32, #tpu.memory_space<hbm>>
    tpu.wait_indirect_dma semaphore(%arg7 : memref<!tpu.dma_semaphore, #tpu.memory_space<semaphore_mem>>) src(%dma_wait3A_90 : memref<100000x64xf32, #tpu.memory_space<hbm>>) dst(%dma_wait3A_85 : memref<128x64xf32, #tpu.memory_space<vmem>>)
    %add3A_91 = arith.constant 0 : i32
    %add3A_92 = arith.addi %mul3A_2, %add3A_91 : i32
    %dma_start3A_93 = arith.constant 0 : i32
    %dma_start3A_94 = arith.constant 0 : i32
    %dma_start3A_95 = arith.constant 0 : i32
    %dma_start3A_96 = tpu.memref_slice %arg6[%dma_start3A_93, %dma_start3A_94, %dma_start3A_95] : memref<8x128x64xf32, #tpu.memory_space<vmem>> -> memref<1x128x64xf32, #tpu.memory_space<vmem>>
    %dma_start3A_97 = tpu.memref_squeeze %dma_start3A_96 : memref<1x128x64xf32, #tpu.memory_space<vmem>> -> memref<128x64xf32, #tpu.memory_space<vmem>>
    %dma_start3A_98 = arith.constant 0 : i32
    %dma_start3A_99 = tpu.memref_slice %arg4[%add3A_92, %dma_start3A_98] : memref<819200x64xf32, #tpu.memory_space<hbm>> -> memref<128x64xf32, #tpu.memory_space<hbm>>
    %dma_start3A_100 = arith.constant 0 : i32
    %dma_start3A_101 = tpu.memref_slice %arg4[%add3A_92, %dma_start3A_100] : memref<819200x64xf32, #tpu.memory_space<hbm>> -> memref<128x64xf32, #tpu.memory_space<hbm>>
    %dma_start3A_102 = arith.constant 0 : i32
    %dma_start3A_103 = arith.constant 0 : i32
    %dma_start3A_104 = tpu.memref_slice %arg6[%dma_start3A_93, %dma_start3A_102, %dma_start3A_103] : memref<8x128x64xf32, #tpu.memory_space<vmem>> -> memref<1x128x64xf32, #tpu.memory_space<vmem>>
    %dma_start3A_105 = tpu.memref_squeeze %dma_start3A_104 : memref<1x128x64xf32, #tpu.memory_space<vmem>> -> memref<128x64xf32, #tpu.memory_space<vmem>>
    tpu.enqueue_dma source(%dma_start3A_105 : memref<128x64xf32, #tpu.memory_space<vmem>>) target(%dma_start3A_101 : memref<128x64xf32, #tpu.memory_space<hbm>>) target_semaphore(%arg15 : memref<!tpu.dma_semaphore, #tpu.memory_space<semaphore_mem>>)
    %add3A_106 = arith.constant 0 : i32
    %add3A_107 = arith.addi %mul3A_2, %add3A_106 : i32
    %dma_wait3A_108 = arith.constant 0 : i32
    %dma_wait3A_109 = arith.constant 0 : i32
    %dma_wait3A_110 = arith.constant 0 : i32
    %dma_wait3A_111 = tpu.memref_slice %arg6[%dma_wait3A_108, %dma_wait3A_109, %dma_wait3A_110] : memref<8x128x64xf32, #tpu.memory_space<vmem>> -> memref<1x128x64xf32, #tpu.memory_space<vmem>>
    %dma_wait3A_112 = tpu.memref_squeeze %dma_wait3A_111 : memref<1x128x64xf32, #tpu.memory_space<vmem>> -> memref<128x64xf32, #tpu.memory_space<vmem>>
    %dma_wait3A_113 = arith.constant 0 : i32
    %dma_wait3A_114 = tpu.memref_slice %arg4[%add3A_107, %dma_wait3A_113] : memref<819200x64xf32, #tpu.memory_space<hbm>> -> memref<128x64xf32, #tpu.memory_space<hbm>>
    %dma_wait3A_115 = arith.constant 0 : i32
    %dma_wait3A_116 = tpu.memref_slice %arg4[%add3A_107, %dma_wait3A_115] : memref<819200x64xf32, #tpu.memory_space<hbm>> -> memref<128x64xf32, #tpu.memory_space<hbm>>
    %dma_wait3A_117 = arith.constant 0 : i32
    %dma_wait3A_118 = arith.constant 0 : i32
    %dma_wait3A_119 = tpu.memref_slice %arg6[%dma_wait3A_108, %dma_wait3A_117, %dma_wait3A_118] : memref<8x128x64xf32, #tpu.memory_space<vmem>> -> memref<1x128x64xf32, #tpu.memory_space<vmem>>
    %dma_wait3A_120 = tpu.memref_squeeze %dma_wait3A_119 : memref<1x128x64xf32, #tpu.memory_space<vmem>> -> memref<128x64xf32, #tpu.memory_space<vmem>>
    tpu.wait_dma2 semaphore(%arg15 : memref<!tpu.dma_semaphore, #tpu.memory_space<semaphore_mem>>) src(%dma_wait3A_120 : memref<128x64xf32, #tpu.memory_space<vmem>>) dst(%dma_wait3A_116 : memref<128x64xf32, #tpu.memory_space<hbm>>)
    %dma_start3A_121 = arith.constant 0 : i32
    %dma_start3A_122 = arith.constant 0 : i32
    %dma_start3A_123 = arith.constant 0 : i32
    %dma_start3A_124 = tpu.memref_slice %arg6[%dma_start3A_121, %dma_start3A_122, %dma_start3A_123] : memref<8x128x64xf32, #tpu.memory_space<vmem>> -> memref<1x128x64xf32, #tpu.memory_space<vmem>>
    %dma_start3A_125 = tpu.memref_squeeze %dma_start3A_124 : memref<1x128x64xf32, #tpu.memory_space<vmem>> -> memref<128x64xf32, #tpu.memory_space<vmem>>
    %dma_start3A_126 = arith.constant 1024 : i32
    %dma_start3A_127 = tpu.memref_slice %arg5[%dma_start3A_126] : memref<25600xi32, #tpu.memory_space<vmem>> -> memref<128xi32, #tpu.memory_space<vmem>>
    %dma_start3A_128 = arith.constant 0 : i32
    %dma_start3A_129 = arith.constant 0 : i32
    %dma_start3A_130 = tpu.memref_slice %arg2[%dma_start3A_128, %dma_start3A_129] : memref<100000x64xf32, #tpu.memory_space<hbm>> -> memref<100000x64xf32, #tpu.memory_space<hbm>>
    tpu.enqueue_indirect_dma source(%dma_start3A_130 : memref<100000x64xf32, #tpu.memory_space<hbm>>) target(%dma_start3A_125 : memref<128x64xf32, #tpu.memory_space<vmem>>) offsets(%dma_start3A_127 : memref<128xi32, #tpu.memory_space<vmem>>) semaphore(%arg7 : memref<!tpu.dma_semaphore, #tpu.memory_space<semaphore_mem>>)
    %dma_wait3A_131 = arith.constant 1 : i32
    %dma_wait3A_132 = arith.constant 0 : i32
    %dma_wait3A_133 = arith.constant 0 : i32
    %dma_wait3A_134 = tpu.memref_slice %arg6[%dma_wait3A_131, %dma_wait3A_132, %dma_wait3A_133] : memref<8x128x64xf32, #tpu.memory_space<vmem>> -> memref<1x128x64xf32, #tpu.memory_space<vmem>>
    %dma_wait3A_135 = tpu.memref_squeeze %dma_wait3A_134 : memref<1x128x64xf32, #tpu.memory_space<vmem>> -> memref<128x64xf32, #tpu.memory_space<vmem>>
    %dma_wait3A_136 = arith.constant 128 : i32
    %dma_wait3A_137 = tpu.memref_slice %arg5[%dma_wait3A_136] : memref<25600xi32, #tpu.memory_space<vmem>> -> memref<128xi32, #tpu.memory_space<vmem>>
    %dma_wait3A_138 = arith.constant 0 : i32
    %dma_wait3A_139 = arith.constant 0 : i32
    %dma_wait3A_140 = tpu.memref_slice %arg2[%dma_wait3A_138, %dma_wait3A_139] : memref<100000x64xf32, #tpu.memory_space<hbm>> -> memref<100000x64xf32, #tpu.memory_space<hbm>>
    tpu.wait_indirect_dma semaphore(%arg8 : memref<!tpu.dma_semaphore, #tpu.memory_space<semaphore_mem>>) src(%dma_wait3A_140 : memref<100000x64xf32, #tpu.memory_space<hbm>>) dst(%dma_wait3A_135 : memref<128x64xf32, #tpu.memory_space<vmem>>)
    %add3A_141 = arith.constant 128 : i32
    %add3A_142 = arith.addi %mul3A_2, %add3A_141 : i32
    %dma_start3A_143 = arith.constant 1 : i32
    %dma_start3A_144 = arith.constant 0 : i32
    %dma_start3A_145 = arith.constant 0 : i32
    %dma_start3A_146 = tpu.memref_slice %arg6[%dma_start3A_143, %dma_start3A_144, %dma_start3A_145] : memref<8x128x64xf32, #tpu.memory_space<vmem>> -> memref<1x128x64xf32, #tpu.memory_space<vmem>>
    %dma_start3A_147 = tpu.memref_squeeze %dma_start3A_146 : memref<1x128x64xf32, #tpu.memory_space<vmem>> -> memref<128x64xf32, #tpu.memory_space<vmem>>
    %dma_start3A_148 = arith.constant 0 : i32
    %dma_start3A_149 = tpu.memref_slice %arg4[%add3A_142, %dma_start3A_148] : memref<819200x64xf32, #tpu.memory_space<hbm>> -> memref<128x64xf32, #tpu.memory_space<hbm>>
    %dma_start3A_150 = arith.constant 0 : i32
    %dma_start3A_151 = tpu.memref_slice %arg4[%add3A_142, %dma_start3A_150] : memref<819200x64xf32, #tpu.memory_space<hbm>> -> memref<128x64xf32, #tpu.memory_space<hbm>>
    %dma_start3A_152 = arith.constant 0 : i32
    %dma_start3A_153 = arith.constant 0 : i32
    %dma_start3A_154 = tpu.memref_slice %arg6[%dma_start3A_143, %dma_start3A_152, %dma_start3A_153] : memref<8x128x64xf32, #tpu.memory_space<vmem>> -> memref<1x128x64xf32, #tpu.memory_space<vmem>>
    %dma_start3A_155 = tpu.memref_squeeze %dma_start3A_154 : memref<1x128x64xf32, #tpu.memory_space<vmem>> -> memref<128x64xf32, #tpu.memory_space<vmem>>
    tpu.enqueue_dma source(%dma_start3A_155 : memref<128x64xf32, #tpu.memory_space<vmem>>) target(%dma_start3A_151 : memref<128x64xf32, #tpu.memory_space<hbm>>) target_semaphore(%arg16 : memref<!tpu.dma_semaphore, #tpu.memory_space<semaphore_mem>>)
    %add3A_156 = arith.constant 128 : i32
    %add3A_157 = arith.addi %mul3A_2, %add3A_156 : i32
    %dma_wait3A_158 = arith.constant 1 : i32
    %dma_wait3A_159 = arith.constant 0 : i32
    %dma_wait3A_160 = arith.constant 0 : i32
    %dma_wait3A_161 = tpu.memref_slice %arg6[%dma_wait3A_158, %dma_wait3A_159, %dma_wait3A_160] : memref<8x128x64xf32, #tpu.memory_space<vmem>> -> memref<1x128x64xf32, #tpu.memory_space<vmem>>
    %dma_wait3A_162 = tpu.memref_squeeze %dma_wait3A_161 : memref<1x128x64xf32, #tpu.memory_space<vmem>> -> memref<128x64xf32, #tpu.memory_space<vmem>>
    %dma_wait3A_163 = arith.constant 0 : i32
    %dma_wait3A_164 = tpu.memref_slice %arg4[%add3A_157, %dma_wait3A_163] : memref<819200x64xf32, #tpu.memory_space<hbm>> -> memref<128x64xf32, #tpu.memory_space<hbm>>
    %dma_wait3A_165 = arith.constant 0 : i32
    %dma_wait3A_166 = tpu.memref_slice %arg4[%add3A_157, %dma_wait3A_165] : memref<819200x64xf32, #tpu.memory_space<hbm>> -> memref<128x64xf32, #tpu.memory_space<hbm>>
    %dma_wait3A_167 = arith.constant 0 : i32
    %dma_wait3A_168 = arith.constant 0 : i32
    %dma_wait3A_169 = tpu.memref_slice %arg6[%dma_wait3A_158, %dma_wait3A_167, %dma_wait3A_168] : memref<8x128x64xf32, #tpu.memory_space<vmem>> -> memref<1x128x64xf32, #tpu.memory_space<vmem>>
    %dma_wait3A_170 = tpu.memref_squeeze %dma_wait3A_169 : memref<1x128x64xf32, #tpu.memory_space<vmem>> -> memref<128x64xf32, #tpu.memory_space<vmem>>
    tpu.wait_dma2 semaphore(%arg16 : memref<!tpu.dma_semaphore, #tpu.memory_space<semaphore_mem>>) src(%dma_wait3A_170 : memref<128x64xf32, #tpu.memory_space<vmem>>) dst(%dma_wait3A_166 : memref<128x64xf32, #tpu.memory_space<hbm>>)
    %dma_start3A_171 = arith.constant 1 : i32
    %dma_start3A_172 = arith.constant 0 : i32
    %dma_start3A_173 = arith.constant 0 : i32
    %dma_start3A_174 = tpu.memref_slice %arg6[%dma_start3A_171, %dma_start3A_172, %dma_start3A_173] : memref<8x128x64xf32, #tpu.memory_space<vmem>> -> memref<1x128x64xf32, #tpu.memory_space<vmem>>
    %dma_start3A_175 = tpu.memref_squeeze %dma_start3A_174 : memref<1x128x64xf32, #tpu.memory_space<vmem>> -> memref<128x64xf32, #tpu.memory_space<vmem>>
    %dma_start3A_176 = arith.constant 1152 : i32
    %dma_start3A_177 = tpu.memref_slice %arg5[%dma_start3A_176] : memref<25600xi32, #tpu.memory_space<vmem>> -> memref<128xi32, #tpu.memory_space<vmem>>
    %dma_start3A_178 = arith.constant 0 : i32
    %dma_start3A_179 = arith.constant 0 : i32
    %dma_start3A_180 = tpu.memref_slice %arg2[%dma_start3A_178, %dma_start3A_179] : memref<100000x64xf32, #tpu.memory_space<hbm>> -> memref<100000x64xf32, #tpu.memory_space<hbm>>
    tpu.enqueue_indirect_dma source(%dma_start3A_180 : memref<100000x64xf32, #tpu.memory_space<hbm>>) target(%dma_start3A_175 : memref<128x64xf32, #tpu.memory_space<vmem>>) offsets(%dma_start3A_177 : memref<128xi32, #tpu.memory_space<vmem>>) semaphore(%arg8 : memref<!tpu.dma_semaphore, #tpu.memory_space<semaphore_mem>>)
    %dma_wait3A_181 = arith.constant 2 : i32
    %dma_wait3A_182 = arith.constant 0 : i32
    %dma_wait3A_183 = arith.constant 0 : i32
    %dma_wait3A_184 = tpu.memref_slice %arg6[%dma_wait3A_181, %dma_wait3A_182, %dma_wait3A_183] : memref<8x128x64xf32, #tpu.memory_space<vmem>> -> memref<1x128x64xf32, #tpu.memory_space<vmem>>
    %dma_wait3A_185 = tpu.memref_squeeze %dma_wait3A_184 : memref<1x128x64xf32, #tpu.memory_space<vmem>> -> memref<128x64xf32, #tpu.memory_space<vmem>>
    %dma_wait3A_186 = arith.constant 256 : i32
    %dma_wait3A_187 = tpu.memref_slice %arg5[%dma_wait3A_186] : memref<25600xi32, #tpu.memory_space<vmem>> -> memref<128xi32, #tpu.memory_space<vmem>>
    %dma_wait3A_188 = arith.constant 0 : i32
    %dma_wait3A_189 = arith.constant 0 : i32
    %dma_wait3A_190 = tpu.memref_slice %arg2[%dma_wait3A_188, %dma_wait3A_189] : memref<100000x64xf32, #tpu.memory_space<hbm>> -> memref<100000x64xf32, #tpu.memory_space<hbm>>
    tpu.wait_indirect_dma semaphore(%arg9 : memref<!tpu.dma_semaphore, #tpu.memory_space<semaphore_mem>>) src(%dma_wait3A_190 : memref<100000x64xf32, #tpu.memory_space<hbm>>) dst(%dma_wait3A_185 : memref<128x64xf32, #tpu.memory_space<vmem>>)
    %add3A_191 = arith.constant 256 : i32
    %add3A_192 = arith.addi %mul3A_2, %add3A_191 : i32
    %dma_start3A_193 = arith.constant 2 : i32
    %dma_start3A_194 = arith.constant 0 : i32
    %dma_start3A_195 = arith.constant 0 : i32
    %dma_start3A_196 = tpu.memref_slice %arg6[%dma_start3A_193, %dma_start3A_194, %dma_start3A_195] : memref<8x128x64xf32, #tpu.memory_space<vmem>> -> memref<1x128x64xf32, #tpu.memory_space<vmem>>
    %dma_start3A_197 = tpu.memref_squeeze %dma_start3A_196 : memref<1x128x64xf32, #tpu.memory_space<vmem>> -> memref<128x64xf32, #tpu.memory_space<vmem>>
    %dma_start3A_198 = arith.constant 0 : i32
    %dma_start3A_199 = tpu.memref_slice %arg4[%add3A_192, %dma_start3A_198] : memref<819200x64xf32, #tpu.memory_space<hbm>> -> memref<128x64xf32, #tpu.memory_space<hbm>>
    %dma_start3A_200 = arith.constant 0 : i32
    %dma_start3A_201 = tpu.memref_slice %arg4[%add3A_192, %dma_start3A_200] : memref<819200x64xf32, #tpu.memory_space<hbm>> -> memref<128x64xf32, #tpu.memory_space<hbm>>
    %dma_start3A_202 = arith.constant 0 : i32
    %dma_start3A_203 = arith.constant 0 : i32
    %dma_start3A_204 = tpu.memref_slice %arg6[%dma_start3A_193, %dma_start3A_202, %dma_start3A_203] : memref<8x128x64xf32, #tpu.memory_space<vmem>> -> memref<1x128x64xf32, #tpu.memory_space<vmem>>
    %dma_start3A_205 = tpu.memref_squeeze %dma_start3A_204 : memref<1x128x64xf32, #tpu.memory_space<vmem>> -> memref<128x64xf32, #tpu.memory_space<vmem>>
    tpu.enqueue_dma source(%dma_start3A_205 : memref<128x64xf32, #tpu.memory_space<vmem>>) target(%dma_start3A_201 : memref<128x64xf32, #tpu.memory_space<hbm>>) target_semaphore(%arg17 : memref<!tpu.dma_semaphore, #tpu.memory_space<semaphore_mem>>)
    %add3A_206 = arith.constant 256 : i32
    %add3A_207 = arith.addi %mul3A_2, %add3A_206 : i32
    %dma_wait3A_208 = arith.constant 2 : i32
    %dma_wait3A_209 = arith.constant 0 : i32
    %dma_wait3A_210 = arith.constant 0 : i32
    %dma_wait3A_211 = tpu.memref_slice %arg6[%dma_wait3A_208, %dma_wait3A_209, %dma_wait3A_210] : memref<8x128x64xf32, #tpu.memory_space<vmem>> -> memref<1x128x64xf32, #tpu.memory_space<vmem>>
    %dma_wait3A_212 = tpu.memref_squeeze %dma_wait3A_211 : memref<1x128x64xf32, #tpu.memory_space<vmem>> -> memref<128x64xf32, #tpu.memory_space<vmem>>
    %dma_wait3A_213 = arith.constant 0 : i32
    %dma_wait3A_214 = tpu.memref_slice %arg4[%add3A_207, %dma_wait3A_213] : memref<819200x64xf32, #tpu.memory_space<hbm>> -> memref<128x64xf32, #tpu.memory_space<hbm>>
    %dma_wait3A_215 = arith.constant 0 : i32
    %dma_wait3A_216 = tpu.memref_slice %arg4[%add3A_207, %dma_wait3A_215] : memref<819200x64xf32, #tpu.memory_space<hbm>> -> memref<128x64xf32, #tpu.memory_space<hbm>>
    %dma_wait3A_217 = arith.constant 0 : i32
    %dma_wait3A_218 = arith.constant 0 : i32
    %dma_wait3A_219 = tpu.memref_slice %arg6[%dma_wait3A_208, %dma_wait3A_217, %dma_wait3A_218] : memref<8x128x64xf32, #tpu.memory_space<vmem>> -> memref<1x128x64xf32, #tpu.memory_space<vmem>>
    %dma_wait3A_220 = tpu.memref_squeeze %dma_wait3A_219 : memref<1x128x64xf32, #tpu.memory_space<vmem>> -> memref<128x64xf32, #tpu.memory_space<vmem>>
    tpu.wait_dma2 semaphore(%arg17 : memref<!tpu.dma_semaphore, #tpu.memory_space<semaphore_mem>>) src(%dma_wait3A_220 : memref<128x64xf32, #tpu.memory_space<vmem>>) dst(%dma_wait3A_216 : memref<128x64xf32, #tpu.memory_space<hbm>>)
    %dma_start3A_221 = arith.constant 2 : i32
    %dma_start3A_222 = arith.constant 0 : i32
    %dma_start3A_223 = arith.constant 0 : i32
    %dma_start3A_224 = tpu.memref_slice %arg6[%dma_start3A_221, %dma_start3A_222, %dma_start3A_223] : memref<8x128x64xf32, #tpu.memory_space<vmem>> -> memref<1x128x64xf32, #tpu.memory_space<vmem>>
    %dma_start3A_225 = tpu.memref_squeeze %dma_start3A_224 : memref<1x128x64xf32, #tpu.memory_space<vmem>> -> memref<128x64xf32, #tpu.memory_space<vmem>>
    %dma_start3A_226 = arith.constant 1280 : i32
    %dma_start3A_227 = tpu.memref_slice %arg5[%dma_start3A_226] : memref<25600xi32, #tpu.memory_space<vmem>> -> memref<128xi32, #tpu.memory_space<vmem>>
    %dma_start3A_228 = arith.constant 0 : i32
    %dma_start3A_229 = arith.constant 0 : i32
    %dma_start3A_230 = tpu.memref_slice %arg2[%dma_start3A_228, %dma_start3A_229] : memref<100000x64xf32, #tpu.memory_space<hbm>> -> memref<100000x64xf32, #tpu.memory_space<hbm>>
    tpu.enqueue_indirect_dma source(%dma_start3A_230 : memref<100000x64xf32, #tpu.memory_space<hbm>>) target(%dma_start3A_225 : memref<128x64xf32, #tpu.memory_space<vmem>>) offsets(%dma_start3A_227 : memref<128xi32, #tpu.memory_space<vmem>>) semaphore(%arg9 : memref<!tpu.dma_semaphore, #tpu.memory_space<semaphore_mem>>)
    %dma_wait3A_231 = arith.constant 3 : i32
    %dma_wait3A_232 = arith.constant 0 : i32
    %dma_wait3A_233 = arith.constant 0 : i32
    %dma_wait3A_234 = tpu.memref_slice %arg6[%dma_wait3A_231, %dma_wait3A_232, %dma_wait3A_233] : memref<8x128x64xf32, #tpu.memory_space<vmem>> -> memref<1x128x64xf32, #tpu.memory_space<vmem>>
    %dma_wait3A_235 = tpu.memref_squeeze %dma_wait3A_234 : memref<1x128x64xf32, #tpu.memory_space<vmem>> -> memref<128x64xf32, #tpu.memory_space<vmem>>
    %dma_wait3A_236 = arith.constant 384 : i32
    %dma_wait3A_237 = tpu.memref_slice %arg5[%dma_wait3A_236] : memref<25600xi32, #tpu.memory_space<vmem>> -> memref<128xi32, #tpu.memory_space<vmem>>
    %dma_wait3A_238 = arith.constant 0 : i32
    %dma_wait3A_239 = arith.constant 0 : i32
    %dma_wait3A_240 = tpu.memref_slice %arg2[%dma_wait3A_238, %dma_wait3A_239] : memref<100000x64xf32, #tpu.memory_space<hbm>> -> memref<100000x64xf32, #tpu.memory_space<hbm>>
    tpu.wait_indirect_dma semaphore(%arg10 : memref<!tpu.dma_semaphore, #tpu.memory_space<semaphore_mem>>) src(%dma_wait3A_240 : memref<100000x64xf32, #tpu.memory_space<hbm>>) dst(%dma_wait3A_235 : memref<128x64xf32, #tpu.memory_space<vmem>>)
    %add3A_241 = arith.constant 384 : i32
    %add3A_242 = arith.addi %mul3A_2, %add3A_241 : i32
    %dma_start3A_243 = arith.constant 3 : i32
    %dma_start3A_244 = arith.constant 0 : i32
    %dma_start3A_245 = arith.constant 0 : i32
    %dma_start3A_246 = tpu.memref_slice %arg6[%dma_start3A_243, %dma_start3A_244, %dma_start3A_245] : memref<8x128x64xf32, #tpu.memory_space<vmem>> -> memref<1x128x64xf32, #tpu.memory_space<vmem>>
    %dma_start3A_247 = tpu.memref_squeeze %dma_start3A_246 : memref<1x128x64xf32, #tpu.memory_space<vmem>> -> memref<128x64xf32, #tpu.memory_space<vmem>>
    %dma_start3A_248 = arith.constant 0 : i32
    %dma_start3A_249 = tpu.memref_slice %arg4[%add3A_242, %dma_start3A_248] : memref<819200x64xf32, #tpu.memory_space<hbm>> -> memref<128x64xf32, #tpu.memory_space<hbm>>
    %dma_start3A_250 = arith.constant 0 : i32
    %dma_start3A_251 = tpu.memref_slice %arg4[%add3A_242, %dma_start3A_250] : memref<819200x64xf32, #tpu.memory_space<hbm>> -> memref<128x64xf32, #tpu.memory_space<hbm>>
    %dma_start3A_252 = arith.constant 0 : i32
    %dma_start3A_253 = arith.constant 0 : i32
    %dma_start3A_254 = tpu.memref_slice %arg6[%dma_start3A_243, %dma_start3A_252, %dma_start3A_253] : memref<8x128x64xf32, #tpu.memory_space<vmem>> -> memref<1x128x64xf32, #tpu.memory_space<vmem>>
    %dma_start3A_255 = tpu.memref_squeeze %dma_start3A_254 : memref<1x128x64xf32, #tpu.memory_space<vmem>> -> memref<128x64xf32, #tpu.memory_space<vmem>>
    tpu.enqueue_dma source(%dma_start3A_255 : memref<128x64xf32, #tpu.memory_space<vmem>>) target(%dma_start3A_251 : memref<128x64xf32, #tpu.memory_space<hbm>>) target_semaphore(%arg18 : memref<!tpu.dma_semaphore, #tpu.memory_space<semaphore_mem>>)
    %add3A_256 = arith.constant 384 : i32
    %add3A_257 = arith.addi %mul3A_2, %add3A_256 : i32
    %dma_wait3A_258 = arith.constant 3 : i32
    %dma_wait3A_259 = arith.constant 0 : i32
    %dma_wait3A_260 = arith.constant 0 : i32
    %dma_wait3A_261 = tpu.memref_slice %arg6[%dma_wait3A_258, %dma_wait3A_259, %dma_wait3A_260] : memref<8x128x64xf32, #tpu.memory_space<vmem>> -> memref<1x128x64xf32, #tpu.memory_space<vmem>>
    %dma_wait3A_262 = tpu.memref_squeeze %dma_wait3A_261 : memref<1x128x64xf32, #tpu.memory_space<vmem>> -> memref<128x64xf32, #tpu.memory_space<vmem>>
    %dma_wait3A_263 = arith.constant 0 : i32
    %dma_wait3A_264 = tpu.memref_slice %arg4[%add3A_257, %dma_wait3A_263] : memref<819200x64xf32, #tpu.memory_space<hbm>> -> memref<128x64xf32, #tpu.memory_space<hbm>>
    %dma_wait3A_265 = arith.constant 0 : i32
    %dma_wait3A_266 = tpu.memref_slice %arg4[%add3A_257, %dma_wait3A_265] : memref<819200x64xf32, #tpu.memory_space<hbm>> -> memref<128x64xf32, #tpu.memory_space<hbm>>
    %dma_wait3A_267 = arith.constant 0 : i32
    %dma_wait3A_268 = arith.constant 0 : i32
    %dma_wait3A_269 = tpu.memref_slice %arg6[%dma_wait3A_258, %dma_wait3A_267, %dma_wait3A_268] : memref<8x128x64xf32, #tpu.memory_space<vmem>> -> memref<1x128x64xf32, #tpu.memory_space<vmem>>
    %dma_wait3A_270 = tpu.memref_squeeze %dma_wait3A_269 : memref<1x128x64xf32, #tpu.memory_space<vmem>> -> memref<128x64xf32, #tpu.memory_space<vmem>>
    tpu.wait_dma2 semaphore(%arg18 : memref<!tpu.dma_semaphore, #tpu.memory_space<semaphore_mem>>) src(%dma_wait3A_270 : memref<128x64xf32, #tpu.memory_space<vmem>>) dst(%dma_wait3A_266 : memref<128x64xf32, #tpu.memory_space<hbm>>)
    %dma_start3A_271 = arith.constant 3 : i32
    %dma_start3A_272 = arith.constant 0 : i32
    %dma_start3A_273 = arith.constant 0 : i32
    %dma_start3A_274 = tpu.memref_slice %arg6[%dma_start3A_271, %dma_start3A_272, %dma_start3A_273] : memref<8x128x64xf32, #tpu.memory_space<vmem>> -> memref<1x128x64xf32, #tpu.memory_space<vmem>>
    %dma_start3A_275 = tpu.memref_squeeze %dma_start3A_274 : memref<1x128x64xf32, #tpu.memory_space<vmem>> -> memref<128x64xf32, #tpu.memory_space<vmem>>
    %dma_start3A_276 = arith.constant 1408 : i32
    %dma_start3A_277 = tpu.memref_slice %arg5[%dma_start3A_276] : memref<25600xi32, #tpu.memory_space<vmem>> -> memref<128xi32, #tpu.memory_space<vmem>>
    %dma_start3A_278 = arith.constant 0 : i32
    %dma_start3A_279 = arith.constant 0 : i32
    %dma_start3A_280 = tpu.memref_slice %arg2[%dma_start3A_278, %dma_start3A_279] : memref<100000x64xf32, #tpu.memory_space<hbm>> -> memref<100000x64xf32, #tpu.memory_space<hbm>>
    tpu.enqueue_indirect_dma source(%dma_start3A_280 : memref<100000x64xf32, #tpu.memory_space<hbm>>) target(%dma_start3A_275 : memref<128x64xf32, #tpu.memory_space<vmem>>) offsets(%dma_start3A_277 : memref<128xi32, #tpu.memory_space<vmem>>) semaphore(%arg10 : memref<!tpu.dma_semaphore, #tpu.memory_space<semaphore_mem>>)
    %dma_wait3A_281 = arith.constant 4 : i32
    %dma_wait3A_282 = arith.constant 0 : i32
    %dma_wait3A_283 = arith.constant 0 : i32
    %dma_wait3A_284 = tpu.memref_slice %arg6[%dma_wait3A_281, %dma_wait3A_282, %dma_wait3A_283] : memref<8x128x64xf32, #tpu.memory_space<vmem>> -> memref<1x128x64xf32, #tpu.memory_space<vmem>>
    %dma_wait3A_285 = tpu.memref_squeeze %dma_wait3A_284 : memref<1x128x64xf32, #tpu.memory_space<vmem>> -> memref<128x64xf32, #tpu.memory_space<vmem>>
    %dma_wait3A_286 = arith.constant 512 : i32
    %dma_wait3A_287 = tpu.memref_slice %arg5[%dma_wait3A_286] : memref<25600xi32, #tpu.memory_space<vmem>> -> memref<128xi32, #tpu.memory_space<vmem>>
    %dma_wait3A_288 = arith.constant 0 : i32
    %dma_wait3A_289 = arith.constant 0 : i32
    %dma_wait3A_290 = tpu.memref_slice %arg2[%dma_wait3A_288, %dma_wait3A_289] : memref<100000x64xf32, #tpu.memory_space<hbm>> -> memref<100000x64xf32, #tpu.memory_space<hbm>>
    tpu.wait_indirect_dma semaphore(%arg11 : memref<!tpu.dma_semaphore, #tpu.memory_space<semaphore_mem>>) src(%dma_wait3A_290 : memref<100000x64xf32, #tpu.memory_space<hbm>>) dst(%dma_wait3A_285 : memref<128x64xf32, #tpu.memory_space<vmem>>)
    %add3A_291 = arith.constant 512 : i32
    %add3A_292 = arith.addi %mul3A_2, %add3A_291 : i32
    %dma_start3A_293 = arith.constant 4 : i32
    %dma_start3A_294 = arith.constant 0 : i32
    %dma_start3A_295 = arith.constant 0 : i32
    %dma_start3A_296 = tpu.memref_slice %arg6[%dma_start3A_293, %dma_start3A_294, %dma_start3A_295] : memref<8x128x64xf32, #tpu.memory_space<vmem>> -> memref<1x128x64xf32, #tpu.memory_space<vmem>>
    %dma_start3A_297 = tpu.memref_squeeze %dma_start3A_296 : memref<1x128x64xf32, #tpu.memory_space<vmem>> -> memref<128x64xf32, #tpu.memory_space<vmem>>
    %dma_start3A_298 = arith.constant 0 : i32
    %dma_start3A_299 = tpu.memref_slice %arg4[%add3A_292, %dma_start3A_298] : memref<819200x64xf32, #tpu.memory_space<hbm>> -> memref<128x64xf32, #tpu.memory_space<hbm>>
    %dma_start3A_300 = arith.constant 0 : i32
    %dma_start3A_301 = tpu.memref_slice %arg4[%add3A_292, %dma_start3A_300] : memref<819200x64xf32, #tpu.memory_space<hbm>> -> memref<128x64xf32, #tpu.memory_space<hbm>>
    %dma_start3A_302 = arith.constant 0 : i32
    %dma_start3A_303 = arith.constant 0 : i32
    %dma_start3A_304 = tpu.memref_slice %arg6[%dma_start3A_293, %dma_start3A_302, %dma_start3A_303] : memref<8x128x64xf32, #tpu.memory_space<vmem>> -> memref<1x128x64xf32, #tpu.memory_space<vmem>>
    %dma_start3A_305 = tpu.memref_squeeze %dma_start3A_304 : memref<1x128x64xf32, #tpu.memory_space<vmem>> -> memref<128x64xf32, #tpu.memory_space<vmem>>
    tpu.enqueue_dma source(%dma_start3A_305 : memref<128x64xf32, #tpu.memory_space<vmem>>) target(%dma_start3A_301 : memref<128x64xf32, #tpu.memory_space<hbm>>) target_semaphore(%arg19 : memref<!tpu.dma_semaphore, #tpu.memory_space<semaphore_mem>>)
    %add3A_306 = arith.constant 512 : i32
    %add3A_307 = arith.addi %mul3A_2, %add3A_306 : i32
    %dma_wait3A_308 = arith.constant 4 : i32
    %dma_wait3A_309 = arith.constant 0 : i32
    %dma_wait3A_310 = arith.constant 0 : i32
    %dma_wait3A_311 = tpu.memref_slice %arg6[%dma_wait3A_308, %dma_wait3A_309, %dma_wait3A_310] : memref<8x128x64xf32, #tpu.memory_space<vmem>> -> memref<1x128x64xf32, #tpu.memory_space<vmem>>
    %dma_wait3A_312 = tpu.memref_squeeze %dma_wait3A_311 : memref<1x128x64xf32, #tpu.memory_space<vmem>> -> memref<128x64xf32, #tpu.memory_space<vmem>>
    %dma_wait3A_313 = arith.constant 0 : i32
    %dma_wait3A_314 = tpu.memref_slice %arg4[%add3A_307, %dma_wait3A_313] : memref<819200x64xf32, #tpu.memory_space<hbm>> -> memref<128x64xf32, #tpu.memory_space<hbm>>
    %dma_wait3A_315 = arith.constant 0 : i32
    %dma_wait3A_316 = tpu.memref_slice %arg4[%add3A_307, %dma_wait3A_315] : memref<819200x64xf32, #tpu.memory_space<hbm>> -> memref<128x64xf32, #tpu.memory_space<hbm>>
    %dma_wait3A_317 = arith.constant 0 : i32
    %dma_wait3A_318 = arith.constant 0 : i32
    %dma_wait3A_319 = tpu.memref_slice %arg6[%dma_wait3A_308, %dma_wait3A_317, %dma_wait3A_318] : memref<8x128x64xf32, #tpu.memory_space<vmem>> -> memref<1x128x64xf32, #tpu.memory_space<vmem>>
    %dma_wait3A_320 = tpu.memref_squeeze %dma_wait3A_319 : memref<1x128x64xf32, #tpu.memory_space<vmem>> -> memref<128x64xf32, #tpu.memory_space<vmem>>
    tpu.wait_dma2 semaphore(%arg19 : memref<!tpu.dma_semaphore, #tpu.memory_space<semaphore_mem>>) src(%dma_wait3A_320 : memref<128x64xf32, #tpu.memory_space<vmem>>) dst(%dma_wait3A_316 : memref<128x64xf32, #tpu.memory_space<hbm>>)
    %dma_start3A_321 = arith.constant 4 : i32
    %dma_start3A_322 = arith.constant 0 : i32
    %dma_start3A_323 = arith.constant 0 : i32
    %dma_start3A_324 = tpu.memref_slice %arg6[%dma_start3A_321, %dma_start3A_322, %dma_start3A_323] : memref<8x128x64xf32, #tpu.memory_space<vmem>> -> memref<1x128x64xf32, #tpu.memory_space<vmem>>
    %dma_start3A_325 = tpu.memref_squeeze %dma_start3A_324 : memref<1x128x64xf32, #tpu.memory_space<vmem>> -> memref<128x64xf32, #tpu.memory_space<vmem>>
    %dma_start3A_326 = arith.constant 1536 : i32
    %dma_start3A_327 = tpu.memref_slice %arg5[%dma_start3A_326] : memref<25600xi32, #tpu.memory_space<vmem>> -> memref<128xi32, #tpu.memory_space<vmem>>
    %dma_start3A_328 = arith.constant 0 : i32
    %dma_start3A_329 = arith.constant 0 : i32
    %dma_start3A_330 = tpu.memref_slice %arg2[%dma_start3A_328, %dma_start3A_329] : memref<100000x64xf32, #tpu.memory_space<hbm>> -> memref<100000x64xf32, #tpu.memory_space<hbm>>
    tpu.enqueue_indirect_dma source(%dma_start3A_330 : memref<100000x64xf32, #tpu.memory_space<hbm>>) target(%dma_start3A_325 : memref<128x64xf32, #tpu.memory_space<vmem>>) offsets(%dma_start3A_327 : memref<128xi32, #tpu.memory_space<vmem>>) semaphore(%arg11 : memref<!tpu.dma_semaphore, #tpu.memory_space<semaphore_mem>>)
    %dma_wait3A_331 = arith.constant 5 : i32
    %dma_wait3A_332 = arith.constant 0 : i32
    %dma_wait3A_333 = arith.constant 0 : i32
    %dma_wait3A_334 = tpu.memref_slice %arg6[%dma_wait3A_331, %dma_wait3A_332, %dma_wait3A_333] : memref<8x128x64xf32, #tpu.memory_space<vmem>> -> memref<1x128x64xf32, #tpu.memory_space<vmem>>
    %dma_wait3A_335 = tpu.memref_squeeze %dma_wait3A_334 : memref<1x128x64xf32, #tpu.memory_space<vmem>> -> memref<128x64xf32, #tpu.memory_space<vmem>>
    %dma_wait3A_336 = arith.constant 640 : i32
    %dma_wait3A_337 = tpu.memref_slice %arg5[%dma_wait3A_336] : memref<25600xi32, #tpu.memory_space<vmem>> -> memref<128xi32, #tpu.memory_space<vmem>>
    %dma_wait3A_338 = arith.constant 0 : i32
    %dma_wait3A_339 = arith.constant 0 : i32
    %dma_wait3A_340 = tpu.memref_slice %arg2[%dma_wait3A_338, %dma_wait3A_339] : memref<100000x64xf32, #tpu.memory_space<hbm>> -> memref<100000x64xf32, #tpu.memory_space<hbm>>
    tpu.wait_indirect_dma semaphore(%arg12 : memref<!tpu.dma_semaphore, #tpu.memory_space<semaphore_mem>>) src(%dma_wait3A_340 : memref<100000x64xf32, #tpu.memory_space<hbm>>) dst(%dma_wait3A_335 : memref<128x64xf32, #tpu.memory_space<vmem>>)
    %add3A_341 = arith.constant 640 : i32
    %add3A_342 = arith.addi %mul3A_2, %add3A_341 : i32
    %dma_start3A_343 = arith.constant 5 : i32
    %dma_start3A_344 = arith.constant 0 : i32
    %dma_start3A_345 = arith.constant 0 : i32
    %dma_start3A_346 = tpu.memref_slice %arg6[%dma_start3A_343, %dma_start3A_344, %dma_start3A_345] : memref<8x128x64xf32, #tpu.memory_space<vmem>> -> memref<1x128x64xf32, #tpu.memory_space<vmem>>
    %dma_start3A_347 = tpu.memref_squeeze %dma_start3A_346 : memref<1x128x64xf32, #tpu.memory_space<vmem>> -> memref<128x64xf32, #tpu.memory_space<vmem>>
    %dma_start3A_348 = arith.constant 0 : i32
    %dma_start3A_349 = tpu.memref_slice %arg4[%add3A_342, %dma_start3A_348] : memref<819200x64xf32, #tpu.memory_space<hbm>> -> memref<128x64xf32, #tpu.memory_space<hbm>>
    %dma_start3A_350 = arith.constant 0 : i32
    %dma_start3A_351 = tpu.memref_slice %arg4[%add3A_342, %dma_start3A_350] : memref<819200x64xf32, #tpu.memory_space<hbm>> -> memref<128x64xf32, #tpu.memory_space<hbm>>
    %dma_start3A_352 = arith.constant 0 : i32
    %dma_start3A_353 = arith.constant 0 : i32
    %dma_start3A_354 = tpu.memref_slice %arg6[%dma_start3A_343, %dma_start3A_352, %dma_start3A_353] : memref<8x128x64xf32, #tpu.memory_space<vmem>> -> memref<1x128x64xf32, #tpu.memory_space<vmem>>
    %dma_start3A_355 = tpu.memref_squeeze %dma_start3A_354 : memref<1x128x64xf32, #tpu.memory_space<vmem>> -> memref<128x64xf32, #tpu.memory_space<vmem>>
    tpu.enqueue_dma source(%dma_start3A_355 : memref<128x64xf32, #tpu.memory_space<vmem>>) target(%dma_start3A_351 : memref<128x64xf32, #tpu.memory_space<hbm>>) target_semaphore(%arg20 : memref<!tpu.dma_semaphore, #tpu.memory_space<semaphore_mem>>)
    %add3A_356 = arith.constant 640 : i32
    %add3A_357 = arith.addi %mul3A_2, %add3A_356 : i32
    %dma_wait3A_358 = arith.constant 5 : i32
    %dma_wait3A_359 = arith.constant 0 : i32
    %dma_wait3A_360 = arith.constant 0 : i32
    %dma_wait3A_361 = tpu.memref_slice %arg6[%dma_wait3A_358, %dma_wait3A_359, %dma_wait3A_360] : memref<8x128x64xf32, #tpu.memory_space<vmem>> -> memref<1x128x64xf32, #tpu.memory_space<vmem>>
    %dma_wait3A_362 = tpu.memref_squeeze %dma_wait3A_361 : memref<1x128x64xf32, #tpu.memory_space<vmem>> -> memref<128x64xf32, #tpu.memory_space<vmem>>
    %dma_wait3A_363 = arith.constant 0 : i32
    %dma_wait3A_364 = tpu.memref_slice %arg4[%add3A_357, %dma_wait3A_363] : memref<819200x64xf32, #tpu.memory_space<hbm>> -> memref<128x64xf32, #tpu.memory_space<hbm>>
    %dma_wait3A_365 = arith.constant 0 : i32
    %dma_wait3A_366 = tpu.memref_slice %arg4[%add3A_357, %dma_wait3A_365] : memref<819200x64xf32, #tpu.memory_space<hbm>> -> memref<128x64xf32, #tpu.memory_space<hbm>>
    %dma_wait3A_367 = arith.constant 0 : i32
    %dma_wait3A_368 = arith.constant 0 : i32
    %dma_wait3A_369 = tpu.memref_slice %arg6[%dma_wait3A_358, %dma_wait3A_367, %dma_wait3A_368] : memref<8x128x64xf32, #tpu.memory_space<vmem>> -> memref<1x128x64xf32, #tpu.memory_space<vmem>>
    %dma_wait3A_370 = tpu.memref_squeeze %dma_wait3A_369 : memref<1x128x64xf32, #tpu.memory_space<vmem>> -> memref<128x64xf32, #tpu.memory_space<vmem>>
    tpu.wait_dma2 semaphore(%arg20 : memref<!tpu.dma_semaphore, #tpu.memory_space<semaphore_mem>>) src(%dma_wait3A_370 : memref<128x64xf32, #tpu.memory_space<vmem>>) dst(%dma_wait3A_366 : memref<128x64xf32, #tpu.memory_space<hbm>>)
    %dma_start3A_371 = arith.constant 5 : i32
    %dma_start3A_372 = arith.constant 0 : i32
    %dma_start3A_373 = arith.constant 0 : i32
    %dma_start3A_374 = tpu.memref_slice %arg6[%dma_start3A_371, %dma_start3A_372, %dma_start3A_373] : memref<8x128x64xf32, #tpu.memory_space<vmem>> -> memref<1x128x64xf32, #tpu.memory_space<vmem>>
    %dma_start3A_375 = tpu.memref_squeeze %dma_start3A_374 : memref<1x128x64xf32, #tpu.memory_space<vmem>> -> memref<128x64xf32, #tpu.memory_space<vmem>>
    %dma_start3A_376 = arith.constant 1664 : i32
    %dma_start3A_377 = tpu.memref_slice %arg5[%dma_start3A_376] : memref<25600xi32, #tpu.memory_space<vmem>> -> memref<128xi32, #tpu.memory_space<vmem>>
    %dma_start3A_378 = arith.constant 0 : i32
    %dma_start3A_379 = arith.constant 0 : i32
    %dma_start3A_380 = tpu.memref_slice %arg2[%dma_start3A_378, %dma_start3A_379] : memref<100000x64xf32, #tpu.memory_space<hbm>> -> memref<100000x64xf32, #tpu.memory_space<hbm>>
    tpu.enqueue_indirect_dma source(%dma_start3A_380 : memref<100000x64xf32, #tpu.memory_space<hbm>>) target(%dma_start3A_375 : memref<128x64xf32, #tpu.memory_space<vmem>>) offsets(%dma_start3A_377 : memref<128xi32, #tpu.memory_space<vmem>>) semaphore(%arg12 : memref<!tpu.dma_semaphore, #tpu.memory_space<semaphore_mem>>)
    %dma_wait3A_381 = arith.constant 6 : i32
    %dma_wait3A_382 = arith.constant 0 : i32
    %dma_wait3A_383 = arith.constant 0 : i32
    %dma_wait3A_384 = tpu.memref_slice %arg6[%dma_wait3A_381, %dma_wait3A_382, %dma_wait3A_383] : memref<8x128x64xf32, #tpu.memory_space<vmem>> -> memref<1x128x64xf32, #tpu.memory_space<vmem>>
    %dma_wait3A_385 = tpu.memref_squeeze %dma_wait3A_384 : memref<1x128x64xf32, #tpu.memory_space<vmem>> -> memref<128x64xf32, #tpu.memory_space<vmem>>
    %dma_wait3A_386 = arith.constant 768 : i32
    %dma_wait3A_387 = tpu.memref_slice %arg5[%dma_wait3A_386] : memref<25600xi32, #tpu.memory_space<vmem>> -> memref<128xi32, #tpu.memory_space<vmem>>
    %dma_wait3A_388 = arith.constant 0 : i32
    %dma_wait3A_389 = arith.constant 0 : i32
    %dma_wait3A_390 = tpu.memref_slice %arg2[%dma_wait3A_388, %dma_wait3A_389] : memref<100000x64xf32, #tpu.memory_space<hbm>> -> memref<100000x64xf32, #tpu.memory_space<hbm>>
    tpu.wait_indirect_dma semaphore(%arg13 : memref<!tpu.dma_semaphore, #tpu.memory_space<semaphore_mem>>) src(%dma_wait3A_390 : memref<100000x64xf32, #tpu.memory_space<hbm>>) dst(%dma_wait3A_385 : memref<128x64xf32, #tpu.memory_space<vmem>>)
    %add3A_391 = arith.constant 768 : i32
    %add3A_392 = arith.addi %mul3A_2, %add3A_391 : i32
    %dma_start3A_393 = arith.constant 6 : i32
    %dma_start3A_394 = arith.constant 0 : i32
    %dma_start3A_395 = arith.constant 0 : i32
    %dma_start3A_396 = tpu.memref_slice %arg6[%dma_start3A_393, %dma_start3A_394, %dma_start3A_395] : memref<8x128x64xf32, #tpu.memory_space<vmem>> -> memref<1x128x64xf32, #tpu.memory_space<vmem>>
    %dma_start3A_397 = tpu.memref_squeeze %dma_start3A_396 : memref<1x128x64xf32, #tpu.memory_space<vmem>> -> memref<128x64xf32, #tpu.memory_space<vmem>>
    %dma_start3A_398 = arith.constant 0 : i32
    %dma_start3A_399 = tpu.memref_slice %arg4[%add3A_392, %dma_start3A_398] : memref<819200x64xf32, #tpu.memory_space<hbm>> -> memref<128x64xf32, #tpu.memory_space<hbm>>
    %dma_start3A_400 = arith.constant 0 : i32
    %dma_start3A_401 = tpu.memref_slice %arg4[%add3A_392, %dma_start3A_400] : memref<819200x64xf32, #tpu.memory_space<hbm>> -> memref<128x64xf32, #tpu.memory_space<hbm>>
    %dma_start3A_402 = arith.constant 0 : i32
    %dma_start3A_403 = arith.constant 0 : i32
    %dma_start3A_404 = tpu.memref_slice %arg6[%dma_start3A_393, %dma_start3A_402, %dma_start3A_403] : memref<8x128x64xf32, #tpu.memory_space<vmem>> -> memref<1x128x64xf32, #tpu.memory_space<vmem>>
    %dma_start3A_405 = tpu.memref_squeeze %dma_start3A_404 : memref<1x128x64xf32, #tpu.memory_space<vmem>> -> memref<128x64xf32, #tpu.memory_space<vmem>>
    tpu.enqueue_dma source(%dma_start3A_405 : memref<128x64xf32, #tpu.memory_space<vmem>>) target(%dma_start3A_401 : memref<128x64xf32, #tpu.memory_space<hbm>>) target_semaphore(%arg21 : memref<!tpu.dma_semaphore, #tpu.memory_space<semaphore_mem>>)
    %add3A_406 = arith.constant 768 : i32
    %add3A_407 = arith.addi %mul3A_2, %add3A_406 : i32
    %dma_wait3A_408 = arith.constant 6 : i32
    %dma_wait3A_409 = arith.constant 0 : i32
    %dma_wait3A_410 = arith.constant 0 : i32
    %dma_wait3A_411 = tpu.memref_slice %arg6[%dma_wait3A_408, %dma_wait3A_409, %dma_wait3A_410] : memref<8x128x64xf32, #tpu.memory_space<vmem>> -> memref<1x128x64xf32, #tpu.memory_space<vmem>>
    %dma_wait3A_412 = tpu.memref_squeeze %dma_wait3A_411 : memref<1x128x64xf32, #tpu.memory_space<vmem>> -> memref<128x64xf32, #tpu.memory_space<vmem>>
    %dma_wait3A_413 = arith.constant 0 : i32
    %dma_wait3A_414 = tpu.memref_slice %arg4[%add3A_407, %dma_wait3A_413] : memref<819200x64xf32, #tpu.memory_space<hbm>> -> memref<128x64xf32, #tpu.memory_space<hbm>>
    %dma_wait3A_415 = arith.constant 0 : i32
    %dma_wait3A_416 = tpu.memref_slice %arg4[%add3A_407, %dma_wait3A_415] : memref<819200x64xf32, #tpu.memory_space<hbm>> -> memref<128x64xf32, #tpu.memory_space<hbm>>
    %dma_wait3A_417 = arith.constant 0 : i32
    %dma_wait3A_418 = arith.constant 0 : i32
    %dma_wait3A_419 = tpu.memref_slice %arg6[%dma_wait3A_408, %dma_wait3A_417, %dma_wait3A_418] : memref<8x128x64xf32, #tpu.memory_space<vmem>> -> memref<1x128x64xf32, #tpu.memory_space<vmem>>
    %dma_wait3A_420 = tpu.memref_squeeze %dma_wait3A_419 : memref<1x128x64xf32, #tpu.memory_space<vmem>> -> memref<128x64xf32, #tpu.memory_space<vmem>>
    tpu.wait_dma2 semaphore(%arg21 : memref<!tpu.dma_semaphore, #tpu.memory_space<semaphore_mem>>) src(%dma_wait3A_420 : memref<128x64xf32, #tpu.memory_space<vmem>>) dst(%dma_wait3A_416 : memref<128x64xf32, #tpu.memory_space<hbm>>)
    %dma_start3A_421 = arith.constant 6 : i32
    %dma_start3A_422 = arith.constant 0 : i32
    %dma_start3A_423 = arith.constant 0 : i32
    %dma_start3A_424 = tpu.memref_slice %arg6[%dma_start3A_421, %dma_start3A_422, %dma_start3A_423] : memref<8x128x64xf32, #tpu.memory_space<vmem>> -> memref<1x128x64xf32, #tpu.memory_space<vmem>>
    %dma_start3A_425 = tpu.memref_squeeze %dma_start3A_424 : memref<1x128x64xf32, #tpu.memory_space<vmem>> -> memref<128x64xf32, #tpu.memory_space<vmem>>
    %dma_start3A_426 = arith.constant 1792 : i32
    %dma_start3A_427 = tpu.memref_slice %arg5[%dma_start3A_426] : memref<25600xi32, #tpu.memory_space<vmem>> -> memref<128xi32, #tpu.memory_space<vmem>>
    %dma_start3A_428 = arith.constant 0 : i32
    %dma_start3A_429 = arith.constant 0 : i32
    %dma_start3A_430 = tpu.memref_slice %arg2[%dma_start3A_428, %dma_start3A_429] : memref<100000x64xf32, #tpu.memory_space<hbm>> -> memref<100000x64xf32, #tpu.memory_space<hbm>>
    tpu.enqueue_indirect_dma source(%dma_start3A_430 : memref<100000x64xf32, #tpu.memory_space<hbm>>) target(%dma_start3A_425 : memref<128x64xf32, #tpu.memory_space<vmem>>) offsets(%dma_start3A_427 : memref<128xi32, #tpu.memory_space<vmem>>) semaphore(%arg13 : memref<!tpu.dma_semaphore, #tpu.memory_space<semaphore_mem>>)
    %dma_wait3A_431 = arith.constant 7 : i32
    %dma_wait3A_432 = arith.constant 0 : i32
    %dma_wait3A_433 = arith.constant 0 : i32
    %dma_wait3A_434 = tpu.memref_slice %arg6[%dma_wait3A_431, %dma_wait3A_432, %dma_wait3A_433] : memref<8x128x64xf32, #tpu.memory_space<vmem>> -> memref<1x128x64xf32, #tpu.memory_space<vmem>>
    %dma_wait3A_435 = tpu.memref_squeeze %dma_wait3A_434 : memref<1x128x64xf32, #tpu.memory_space<vmem>> -> memref<128x64xf32, #tpu.memory_space<vmem>>
    %dma_wait3A_436 = arith.constant 896 : i32
    %dma_wait3A_437 = tpu.memref_slice %arg5[%dma_wait3A_436] : memref<25600xi32, #tpu.memory_space<vmem>> -> memref<128xi32, #tpu.memory_space<vmem>>
    %dma_wait3A_438 = arith.constant 0 : i32
    %dma_wait3A_439 = arith.constant 0 : i32
    %dma_wait3A_440 = tpu.memref_slice %arg2[%dma_wait3A_438, %dma_wait3A_439] : memref<100000x64xf32, #tpu.memory_space<hbm>> -> memref<100000x64xf32, #tpu.memory_space<hbm>>
    tpu.wait_indirect_dma semaphore(%arg14 : memref<!tpu.dma_semaphore, #tpu.memory_space<semaphore_mem>>) src(%dma_wait3A_440 : memref<100000x64xf32, #tpu.memory_space<hbm>>) dst(%dma_wait3A_435 : memref<128x64xf32, #tpu.memory_space<vmem>>)
    %add3A_441 = arith.constant 896 : i32
    %add3A_442 = arith.addi %mul3A_2, %add3A_441 : i32
    %dma_start3A_443 = arith.constant 7 : i32
    %dma_start3A_444 = arith.constant 0 : i32
    %dma_start3A_445 = arith.constant 0 : i32
    %dma_start3A_446 = tpu.memref_slice %arg6[%dma_start3A_443, %dma_start3A_444, %dma_start3A_445] : memref<8x128x64xf32, #tpu.memory_space<vmem>> -> memref<1x128x64xf32, #tpu.memory_space<vmem>>
    %dma_start3A_447 = tpu.memref_squeeze %dma_start3A_446 : memref<1x128x64xf32, #tpu.memory_space<vmem>> -> memref<128x64xf32, #tpu.memory_space<vmem>>
    %dma_start3A_448 = arith.constant 0 : i32
    %dma_start3A_449 = tpu.memref_slice %arg4[%add3A_442, %dma_start3A_448] : memref<819200x64xf32, #tpu.memory_space<hbm>> -> memref<128x64xf32, #tpu.memory_space<hbm>>
    %dma_start3A_450 = arith.constant 0 : i32
    %dma_start3A_451 = tpu.memref_slice %arg4[%add3A_442, %dma_start3A_450] : memref<819200x64xf32, #tpu.memory_space<hbm>> -> memref<128x64xf32, #tpu.memory_space<hbm>>
    %dma_start3A_452 = arith.constant 0 : i32
    %dma_start3A_453 = arith.constant 0 : i32
    %dma_start3A_454 = tpu.memref_slice %arg6[%dma_start3A_443, %dma_start3A_452, %dma_start3A_453] : memref<8x128x64xf32, #tpu.memory_space<vmem>> -> memref<1x128x64xf32, #tpu.memory_space<vmem>>
    %dma_start3A_455 = tpu.memref_squeeze %dma_start3A_454 : memref<1x128x64xf32, #tpu.memory_space<vmem>> -> memref<128x64xf32, #tpu.memory_space<vmem>>
    tpu.enqueue_dma source(%dma_start3A_455 : memref<128x64xf32, #tpu.memory_space<vmem>>) target(%dma_start3A_451 : memref<128x64xf32, #tpu.memory_space<hbm>>) target_semaphore(%arg22 : memref<!tpu.dma_semaphore, #tpu.memory_space<semaphore_mem>>)
    %scan3A = arith.constant 0 : i32
    %scan3A_456 = arith.constant 1 : i32
    %scan3A_457 = arith.constant 23 : i32
    %scan3A_458 = arith.addi %scan3A_456, %scan3A_457 : i32
    %scan3A_459 = arith.constant 1 : i32
    scf.for %scan3A_806 = %scan3A_456 to %scan3A_458 step %scan3A_459  : i32 {
      %mul3A_807 = arith.constant 8 : i32
      %mul3A_808 = arith.muli %scan3A_806, %mul3A_807 : i32
      %add3A_809 = arith.constant 0 : i32
      %add3A_810 = arith.addi %mul3A_808, %add3A_809 : i32
      %sub3A = arith.constant 1 : i32
      %sub3A_811 = arith.subi %add3A_810, %sub3A : i32
      %mul3A_812 = arith.constant 128 : i32
      %mul3A_813 = arith.muli %sub3A_811, %mul3A_812 : i32
      %add3A_814 = arith.addi %mul3A_2, %mul3A_813 : i32
      %dma_wait3A_815 = arith.constant 7 : i32
      %dma_wait3A_816 = arith.constant 0 : i32
      %dma_wait3A_817 = arith.constant 0 : i32
      %dma_wait3A_818 = tpu.memref_slice %arg6[%dma_wait3A_815, %dma_wait3A_816, %dma_wait3A_817] : memref<8x128x64xf32, #tpu.memory_space<vmem>> -> memref<1x128x64xf32, #tpu.memory_space<vmem>>
      %dma_wait3A_819 = tpu.memref_squeeze %dma_wait3A_818 : memref<1x128x64xf32, #tpu.memory_space<vmem>> -> memref<128x64xf32, #tpu.memory_space<vmem>>
      %dma_wait3A_820 = arith.constant 0 : i32
      %dma_wait3A_821 = tpu.memref_slice %arg4[%add3A_814, %dma_wait3A_820] : memref<819200x64xf32, #tpu.memory_space<hbm>> -> memref<128x64xf32, #tpu.memory_space<hbm>>
      %dma_wait3A_822 = arith.constant 0 : i32
      %dma_wait3A_823 = tpu.memref_slice %arg4[%add3A_814, %dma_wait3A_822] : memref<819200x64xf32, #tpu.memory_space<hbm>> -> memref<128x64xf32, #tpu.memory_space<hbm>>
      %dma_wait3A_824 = arith.constant 0 : i32
      %dma_wait3A_825 = arith.constant 0 : i32
      %dma_wait3A_826 = tpu.memref_slice %arg6[%dma_wait3A_815, %dma_wait3A_824, %dma_wait3A_825] : memref<8x128x64xf32, #tpu.memory_space<vmem>> -> memref<1x128x64xf32, #tpu.memory_space<vmem>>
      %dma_wait3A_827 = tpu.memref_squeeze %dma_wait3A_826 : memref<1x128x64xf32, #tpu.memory_space<vmem>> -> memref<128x64xf32, #tpu.memory_space<vmem>>
      tpu.wait_dma2 semaphore(%arg22 : memref<!tpu.dma_semaphore, #tpu.memory_space<semaphore_mem>>) src(%dma_wait3A_827 : memref<128x64xf32, #tpu.memory_space<vmem>>) dst(%dma_wait3A_823 : memref<128x64xf32, #tpu.memory_space<hbm>>)
      %sub3A_828 = arith.constant 1 : i32
      %sub3A_829 = arith.subi %add3A_810, %sub3A_828 : i32
      %add3A_830 = arith.constant 8 : i32
      %add3A_831 = arith.addi %sub3A_829, %add3A_830 : i32
      %mul3A_832 = arith.constant 128 : i32
      %mul3A_833 = arith.muli %add3A_831, %mul3A_832 : i32
      %dma_start3A_834 = arith.constant 7 : i32
      %dma_start3A_835 = arith.constant 0 : i32
      %dma_start3A_836 = arith.constant 0 : i32
      %dma_start3A_837 = tpu.memref_slice %arg6[%dma_start3A_834, %dma_start3A_835, %dma_start3A_836] : memref<8x128x64xf32, #tpu.memory_space<vmem>> -> memref<1x128x64xf32, #tpu.memory_space<vmem>>
      %dma_start3A_838 = tpu.memref_squeeze %dma_start3A_837 : memref<1x128x64xf32, #tpu.memory_space<vmem>> -> memref<128x64xf32, #tpu.memory_space<vmem>>
      %dma_start3A_839 = tpu.memref_slice %arg5[%mul3A_833] : memref<25600xi32, #tpu.memory_space<vmem>> -> memref<128xi32, #tpu.memory_space<vmem>>
      %dma_start3A_840 = arith.constant 0 : i32
      %dma_start3A_841 = arith.constant 0 : i32
      %dma_start3A_842 = tpu.memref_slice %arg2[%dma_start3A_840, %dma_start3A_841] : memref<100000x64xf32, #tpu.memory_space<hbm>> -> memref<100000x64xf32, #tpu.memory_space<hbm>>
      tpu.enqueue_indirect_dma source(%dma_start3A_842 : memref<100000x64xf32, #tpu.memory_space<hbm>>) target(%dma_start3A_838 : memref<128x64xf32, #tpu.memory_space<vmem>>) offsets(%dma_start3A_839 : memref<128xi32, #tpu.memory_space<vmem>>) semaphore(%arg14 : memref<!tpu.dma_semaphore, #tpu.memory_space<semaphore_mem>>)
      %mul3A_843 = arith.constant 128 : i32
      %mul3A_844 = arith.muli %add3A_810, %mul3A_843 : i32
      %dma_wait3A_845 = arith.constant 0 : i32
      %dma_wait3A_846 = arith.constant 0 : i32
      %dma_wait3A_847 = arith.constant 0 : i32
      %dma_wait3A_848 = tpu.memref_slice %arg6[%dma_wait3A_845, %dma_wait3A_846, %dma_wait3A_847] : memref<8x128x64xf32, #tpu.memory_space<vmem>> -> memref<1x128x64xf32, #tpu.memory_space<vmem>>
      %dma_wait3A_849 = tpu.memref_squeeze %dma_wait3A_848 : memref<1x128x64xf32, #tpu.memory_space<vmem>> -> memref<128x64xf32, #tpu.memory_space<vmem>>
      %dma_wait3A_850 = tpu.memref_slice %arg5[%mul3A_844] : memref<25600xi32, #tpu.memory_space<vmem>> -> memref<128xi32, #tpu.memory_space<vmem>>
      %dma_wait3A_851 = arith.constant 0 : i32
      %dma_wait3A_852 = arith.constant 0 : i32
      %dma_wait3A_853 = tpu.memref_slice %arg2[%dma_wait3A_851, %dma_wait3A_852] : memref<100000x64xf32, #tpu.memory_space<hbm>> -> memref<100000x64xf32, #tpu.memory_space<hbm>>
      tpu.wait_indirect_dma semaphore(%arg7 : memref<!tpu.dma_semaphore, #tpu.memory_space<semaphore_mem>>) src(%dma_wait3A_853 : memref<100000x64xf32, #tpu.memory_space<hbm>>) dst(%dma_wait3A_849 : memref<128x64xf32, #tpu.memory_space<vmem>>)
      %mul3A_854 = arith.constant 128 : i32
      %mul3A_855 = arith.muli %add3A_810, %mul3A_854 : i32
      %add3A_856 = arith.addi %mul3A_2, %mul3A_855 : i32
      %dma_start3A_857 = arith.constant 0 : i32
      %dma_start3A_858 = arith.constant 0 : i32
      %dma_start3A_859 = arith.constant 0 : i32
      %dma_start3A_860 = tpu.memref_slice %arg6[%dma_start3A_857, %dma_start3A_858, %dma_start3A_859] : memref<8x128x64xf32, #tpu.memory_space<vmem>> -> memref<1x128x64xf32, #tpu.memory_space<vmem>>
      %dma_start3A_861 = tpu.memref_squeeze %dma_start3A_860 : memref<1x128x64xf32, #tpu.memory_space<vmem>> -> memref<128x64xf32, #tpu.memory_space<vmem>>
      %dma_start3A_862 = arith.constant 0 : i32
      %dma_start3A_863 = tpu.memref_slice %arg4[%add3A_856, %dma_start3A_862] : memref<819200x64xf32, #tpu.memory_space<hbm>> -> memref<128x64xf32, #tpu.memory_space<hbm>>
      %dma_start3A_864 = arith.constant 0 : i32
      %dma_start3A_865 = tpu.memref_slice %arg4[%add3A_856, %dma_start3A_864] : memref<819200x64xf32, #tpu.memory_space<hbm>> -> memref<128x64xf32, #tpu.memory_space<hbm>>
      %dma_start3A_866 = arith.constant 0 : i32
      %dma_start3A_867 = arith.constant 0 : i32
      %dma_start3A_868 = tpu.memref_slice %arg6[%dma_start3A_857, %dma_start3A_866, %dma_start3A_867] : memref<8x128x64xf32, #tpu.memory_space<vmem>> -> memref<1x128x64xf32, #tpu.memory_space<vmem>>
      %dma_start3A_869 = tpu.memref_squeeze %dma_start3A_868 : memref<1x128x64xf32, #tpu.memory_space<vmem>> -> memref<128x64xf32, #tpu.memory_space<vmem>>
      tpu.enqueue_dma source(%dma_start3A_869 : memref<128x64xf32, #tpu.memory_space<vmem>>) target(%dma_start3A_865 : memref<128x64xf32, #tpu.memory_space<hbm>>) target_semaphore(%arg15 : memref<!tpu.dma_semaphore, #tpu.memory_space<semaphore_mem>>)
      %mul3A_870 = arith.constant 8 : i32
      %mul3A_871 = arith.muli %scan3A_806, %mul3A_870 : i32
      %add3A_872 = arith.constant 1 : i32
      %add3A_873 = arith.addi %mul3A_871, %add3A_872 : i32
      %sub3A_874 = arith.constant 1 : i32
      %sub3A_875 = arith.subi %add3A_873, %sub3A_874 : i32
      %mul3A_876 = arith.constant 128 : i32
      %mul3A_877 = arith.muli %sub3A_875, %mul3A_876 : i32
      %add3A_878 = arith.addi %mul3A_2, %mul3A_877 : i32
      %dma_wait3A_879 = arith.constant 0 : i32
      %dma_wait3A_880 = arith.constant 0 : i32
      %dma_wait3A_881 = arith.constant 0 : i32
      %dma_wait3A_882 = tpu.memref_slice %arg6[%dma_wait3A_879, %dma_wait3A_880, %dma_wait3A_881] : memref<8x128x64xf32, #tpu.memory_space<vmem>> -> memref<1x128x64xf32, #tpu.memory_space<vmem>>
      %dma_wait3A_883 = tpu.memref_squeeze %dma_wait3A_882 : memref<1x128x64xf32, #tpu.memory_space<vmem>> -> memref<128x64xf32, #tpu.memory_space<vmem>>
      %dma_wait3A_884 = arith.constant 0 : i32
      %dma_wait3A_885 = tpu.memref_slice %arg4[%add3A_878, %dma_wait3A_884] : memref<819200x64xf32, #tpu.memory_space<hbm>> -> memref<128x64xf32, #tpu.memory_space<hbm>>
      %dma_wait3A_886 = arith.constant 0 : i32
      %dma_wait3A_887 = tpu.memref_slice %arg4[%add3A_878, %dma_wait3A_886] : memref<819200x64xf32, #tpu.memory_space<hbm>> -> memref<128x64xf32, #tpu.memory_space<hbm>>
      %dma_wait3A_888 = arith.constant 0 : i32
      %dma_wait3A_889 = arith.constant 0 : i32
      %dma_wait3A_890 = tpu.memref_slice %arg6[%dma_wait3A_879, %dma_wait3A_888, %dma_wait3A_889] : memref<8x128x64xf32, #tpu.memory_space<vmem>> -> memref<1x128x64xf32, #tpu.memory_space<vmem>>
      %dma_wait3A_891 = tpu.memref_squeeze %dma_wait3A_890 : memref<1x128x64xf32, #tpu.memory_space<vmem>> -> memref<128x64xf32, #tpu.memory_space<vmem>>
      tpu.wait_dma2 semaphore(%arg15 : memref<!tpu.dma_semaphore, #tpu.memory_space<semaphore_mem>>) src(%dma_wait3A_891 : memref<128x64xf32, #tpu.memory_space<vmem>>) dst(%dma_wait3A_887 : memref<128x64xf32, #tpu.memory_space<hbm>>)
      %sub3A_892 = arith.constant 1 : i32
      %sub3A_893 = arith.subi %add3A_873, %sub3A_892 : i32
      %add3A_894 = arith.constant 8 : i32
      %add3A_895 = arith.addi %sub3A_893, %add3A_894 : i32
      %mul3A_896 = arith.constant 128 : i32
      %mul3A_897 = arith.muli %add3A_895, %mul3A_896 : i32
      %dma_start3A_898 = arith.constant 0 : i32
      %dma_start3A_899 = arith.constant 0 : i32
      %dma_start3A_900 = arith.constant 0 : i32
      %dma_start3A_901 = tpu.memref_slice %arg6[%dma_start3A_898, %dma_start3A_899, %dma_start3A_900] : memref<8x128x64xf32, #tpu.memory_space<vmem>> -> memref<1x128x64xf32, #tpu.memory_space<vmem>>
      %dma_start3A_902 = tpu.memref_squeeze %dma_start3A_901 : memref<1x128x64xf32, #tpu.memory_space<vmem>> -> memref<128x64xf32, #tpu.memory_space<vmem>>
      %dma_start3A_903 = tpu.memref_slice %arg5[%mul3A_897] : memref<25600xi32, #tpu.memory_space<vmem>> -> memref<128xi32, #tpu.memory_space<vmem>>
      %dma_start3A_904 = arith.constant 0 : i32
      %dma_start3A_905 = arith.constant 0 : i32
      %dma_start3A_906 = tpu.memref_slice %arg2[%dma_start3A_904, %dma_start3A_905] : memref<100000x64xf32, #tpu.memory_space<hbm>> -> memref<100000x64xf32, #tpu.memory_space<hbm>>
      tpu.enqueue_indirect_dma source(%dma_start3A_906 : memref<100000x64xf32, #tpu.memory_space<hbm>>) target(%dma_start3A_902 : memref<128x64xf32, #tpu.memory_space<vmem>>) offsets(%dma_start3A_903 : memref<128xi32, #tpu.memory_space<vmem>>) semaphore(%arg7 : memref<!tpu.dma_semaphore, #tpu.memory_space<semaphore_mem>>)
      %mul3A_907 = arith.constant 128 : i32
      %mul3A_908 = arith.muli %add3A_873, %mul3A_907 : i32
      %dma_wait3A_909 = arith.constant 1 : i32
      %dma_wait3A_910 = arith.constant 0 : i32
      %dma_wait3A_911 = arith.constant 0 : i32
      %dma_wait3A_912 = tpu.memref_slice %arg6[%dma_wait3A_909, %dma_wait3A_910, %dma_wait3A_911] : memref<8x128x64xf32, #tpu.memory_space<vmem>> -> memref<1x128x64xf32, #tpu.memory_space<vmem>>
      %dma_wait3A_913 = tpu.memref_squeeze %dma_wait3A_912 : memref<1x128x64xf32, #tpu.memory_space<vmem>> -> memref<128x64xf32, #tpu.memory_space<vmem>>
      %dma_wait3A_914 = tpu.memref_slice %arg5[%mul3A_908] : memref<25600xi32, #tpu.memory_space<vmem>> -> memref<128xi32, #tpu.memory_space<vmem>>
      %dma_wait3A_915 = arith.constant 0 : i32
      %dma_wait3A_916 = arith.constant 0 : i32
      %dma_wait3A_917 = tpu.memref_slice %arg2[%dma_wait3A_915, %dma_wait3A_916] : memref<100000x64xf32, #tpu.memory_space<hbm>> -> memref<100000x64xf32, #tpu.memory_space<hbm>>
      tpu.wait_indirect_dma semaphore(%arg8 : memref<!tpu.dma_semaphore, #tpu.memory_space<semaphore_mem>>) src(%dma_wait3A_917 : memref<100000x64xf32, #tpu.memory_space<hbm>>) dst(%dma_wait3A_913 : memref<128x64xf32, #tpu.memory_space<vmem>>)
      %mul3A_918 = arith.constant 128 : i32
      %mul3A_919 = arith.muli %add3A_873, %mul3A_918 : i32
      %add3A_920 = arith.addi %mul3A_2, %mul3A_919 : i32
      %dma_start3A_921 = arith.constant 1 : i32
      %dma_start3A_922 = arith.constant 0 : i32
      %dma_start3A_923 = arith.constant 0 : i32
      %dma_start3A_924 = tpu.memref_slice %arg6[%dma_start3A_921, %dma_start3A_922, %dma_start3A_923] : memref<8x128x64xf32, #tpu.memory_space<vmem>> -> memref<1x128x64xf32, #tpu.memory_space<vmem>>
      %dma_start3A_925 = tpu.memref_squeeze %dma_start3A_924 : memref<1x128x64xf32, #tpu.memory_space<vmem>> -> memref<128x64xf32, #tpu.memory_space<vmem>>
      %dma_start3A_926 = arith.constant 0 : i32
      %dma_start3A_927 = tpu.memref_slice %arg4[%add3A_920, %dma_start3A_926] : memref<819200x64xf32, #tpu.memory_space<hbm>> -> memref<128x64xf32, #tpu.memory_space<hbm>>
      %dma_start3A_928 = arith.constant 0 : i32
      %dma_start3A_929 = tpu.memref_slice %arg4[%add3A_920, %dma_start3A_928] : memref<819200x64xf32, #tpu.memory_space<hbm>> -> memref<128x64xf32, #tpu.memory_space<hbm>>
      %dma_start3A_930 = arith.constant 0 : i32
      %dma_start3A_931 = arith.constant 0 : i32
      %dma_start3A_932 = tpu.memref_slice %arg6[%dma_start3A_921, %dma_start3A_930, %dma_start3A_931] : memref<8x128x64xf32, #tpu.memory_space<vmem>> -> memref<1x128x64xf32, #tpu.memory_space<vmem>>
      %dma_start3A_933 = tpu.memref_squeeze %dma_start3A_932 : memref<1x128x64xf32, #tpu.memory_space<vmem>> -> memref<128x64xf32, #tpu.memory_space<vmem>>
      tpu.enqueue_dma source(%dma_start3A_933 : memref<128x64xf32, #tpu.memory_space<vmem>>) target(%dma_start3A_929 : memref<128x64xf32, #tpu.memory_space<hbm>>) target_semaphore(%arg16 : memref<!tpu.dma_semaphore, #tpu.memory_space<semaphore_mem>>)
      %mul3A_934 = arith.constant 8 : i32
      %mul3A_935 = arith.muli %scan3A_806, %mul3A_934 : i32
      %add3A_936 = arith.constant 2 : i32
      %add3A_937 = arith.addi %mul3A_935, %add3A_936 : i32
      %sub3A_938 = arith.constant 1 : i32
      %sub3A_939 = arith.subi %add3A_937, %sub3A_938 : i32
      %mul3A_940 = arith.constant 128 : i32
      %mul3A_941 = arith.muli %sub3A_939, %mul3A_940 : i32
      %add3A_942 = arith.addi %mul3A_2, %mul3A_941 : i32
      %dma_wait3A_943 = arith.constant 1 : i32
      %dma_wait3A_944 = arith.constant 0 : i32
      %dma_wait3A_945 = arith.constant 0 : i32
      %dma_wait3A_946 = tpu.memref_slice %arg6[%dma_wait3A_943, %dma_wait3A_944, %dma_wait3A_945] : memref<8x128x64xf32, #tpu.memory_space<vmem>> -> memref<1x128x64xf32, #tpu.memory_space<vmem>>
      %dma_wait3A_947 = tpu.memref_squeeze %dma_wait3A_946 : memref<1x128x64xf32, #tpu.memory_space<vmem>> -> memref<128x64xf32, #tpu.memory_space<vmem>>
      %dma_wait3A_948 = arith.constant 0 : i32
      %dma_wait3A_949 = tpu.memref_slice %arg4[%add3A_942, %dma_wait3A_948] : memref<819200x64xf32, #tpu.memory_space<hbm>> -> memref<128x64xf32, #tpu.memory_space<hbm>>
      %dma_wait3A_950 = arith.constant 0 : i32
      %dma_wait3A_951 = tpu.memref_slice %arg4[%add3A_942, %dma_wait3A_950] : memref<819200x64xf32, #tpu.memory_space<hbm>> -> memref<128x64xf32, #tpu.memory_space<hbm>>
      %dma_wait3A_952 = arith.constant 0 : i32
      %dma_wait3A_953 = arith.constant 0 : i32
      %dma_wait3A_954 = tpu.memref_slice %arg6[%dma_wait3A_943, %dma_wait3A_952, %dma_wait3A_953] : memref<8x128x64xf32, #tpu.memory_space<vmem>> -> memref<1x128x64xf32, #tpu.memory_space<vmem>>
      %dma_wait3A_955 = tpu.memref_squeeze %dma_wait3A_954 : memref<1x128x64xf32, #tpu.memory_space<vmem>> -> memref<128x64xf32, #tpu.memory_space<vmem>>
      tpu.wait_dma2 semaphore(%arg16 : memref<!tpu.dma_semaphore, #tpu.memory_space<semaphore_mem>>) src(%dma_wait3A_955 : memref<128x64xf32, #tpu.memory_space<vmem>>) dst(%dma_wait3A_951 : memref<128x64xf32, #tpu.memory_space<hbm>>)
      %sub3A_956 = arith.constant 1 : i32
      %sub3A_957 = arith.subi %add3A_937, %sub3A_956 : i32
      %add3A_958 = arith.constant 8 : i32
      %add3A_959 = arith.addi %sub3A_957, %add3A_958 : i32
      %mul3A_960 = arith.constant 128 : i32
      %mul3A_961 = arith.muli %add3A_959, %mul3A_960 : i32
      %dma_start3A_962 = arith.constant 1 : i32
      %dma_start3A_963 = arith.constant 0 : i32
      %dma_start3A_964 = arith.constant 0 : i32
      %dma_start3A_965 = tpu.memref_slice %arg6[%dma_start3A_962, %dma_start3A_963, %dma_start3A_964] : memref<8x128x64xf32, #tpu.memory_space<vmem>> -> memref<1x128x64xf32, #tpu.memory_space<vmem>>
      %dma_start3A_966 = tpu.memref_squeeze %dma_start3A_965 : memref<1x128x64xf32, #tpu.memory_space<vmem>> -> memref<128x64xf32, #tpu.memory_space<vmem>>
      %dma_start3A_967 = tpu.memref_slice %arg5[%mul3A_961] : memref<25600xi32, #tpu.memory_space<vmem>> -> memref<128xi32, #tpu.memory_space<vmem>>
      %dma_start3A_968 = arith.constant 0 : i32
      %dma_start3A_969 = arith.constant 0 : i32
      %dma_start3A_970 = tpu.memref_slice %arg2[%dma_start3A_968, %dma_start3A_969] : memref<100000x64xf32, #tpu.memory_space<hbm>> -> memref<100000x64xf32, #tpu.memory_space<hbm>>
      tpu.enqueue_indirect_dma source(%dma_start3A_970 : memref<100000x64xf32, #tpu.memory_space<hbm>>) target(%dma_start3A_966 : memref<128x64xf32, #tpu.memory_space<vmem>>) offsets(%dma_start3A_967 : memref<128xi32, #tpu.memory_space<vmem>>) semaphore(%arg8 : memref<!tpu.dma_semaphore, #tpu.memory_space<semaphore_mem>>)
      %mul3A_971 = arith.constant 128 : i32
      %mul3A_972 = arith.muli %add3A_937, %mul3A_971 : i32
      %dma_wait3A_973 = arith.constant 2 : i32
      %dma_wait3A_974 = arith.constant 0 : i32
      %dma_wait3A_975 = arith.constant 0 : i32
      %dma_wait3A_976 = tpu.memref_slice %arg6[%dma_wait3A_973, %dma_wait3A_974, %dma_wait3A_975] : memref<8x128x64xf32, #tpu.memory_space<vmem>> -> memref<1x128x64xf32, #tpu.memory_space<vmem>>
      %dma_wait3A_977 = tpu.memref_squeeze %dma_wait3A_976 : memref<1x128x64xf32, #tpu.memory_space<vmem>> -> memref<128x64xf32, #tpu.memory_space<vmem>>
      %dma_wait3A_978 = tpu.memref_slice %arg5[%mul3A_972] : memref<25600xi32, #tpu.memory_space<vmem>> -> memref<128xi32, #tpu.memory_space<vmem>>
      %dma_wait3A_979 = arith.constant 0 : i32
      %dma_wait3A_980 = arith.constant 0 : i32
      %dma_wait3A_981 = tpu.memref_slice %arg2[%dma_wait3A_979, %dma_wait3A_980] : memref<100000x64xf32, #tpu.memory_space<hbm>> -> memref<100000x64xf32, #tpu.memory_space<hbm>>
      tpu.wait_indirect_dma semaphore(%arg9 : memref<!tpu.dma_semaphore, #tpu.memory_space<semaphore_mem>>) src(%dma_wait3A_981 : memref<100000x64xf32, #tpu.memory_space<hbm>>) dst(%dma_wait3A_977 : memref<128x64xf32, #tpu.memory_space<vmem>>)
      %mul3A_982 = arith.constant 128 : i32
      %mul3A_983 = arith.muli %add3A_937, %mul3A_982 : i32
      %add3A_984 = arith.addi %mul3A_2, %mul3A_983 : i32
      %dma_start3A_985 = arith.constant 2 : i32
      %dma_start3A_986 = arith.constant 0 : i32
      %dma_start3A_987 = arith.constant 0 : i32
      %dma_start3A_988 = tpu.memref_slice %arg6[%dma_start3A_985, %dma_start3A_986, %dma_start3A_987] : memref<8x128x64xf32, #tpu.memory_space<vmem>> -> memref<1x128x64xf32, #tpu.memory_space<vmem>>
      %dma_start3A_989 = tpu.memref_squeeze %dma_start3A_988 : memref<1x128x64xf32, #tpu.memory_space<vmem>> -> memref<128x64xf32, #tpu.memory_space<vmem>>
      %dma_start3A_990 = arith.constant 0 : i32
      %dma_start3A_991 = tpu.memref_slice %arg4[%add3A_984, %dma_start3A_990] : memref<819200x64xf32, #tpu.memory_space<hbm>> -> memref<128x64xf32, #tpu.memory_space<hbm>>
      %dma_start3A_992 = arith.constant 0 : i32
      %dma_start3A_993 = tpu.memref_slice %arg4[%add3A_984, %dma_start3A_992] : memref<819200x64xf32, #tpu.memory_space<hbm>> -> memref<128x64xf32, #tpu.memory_space<hbm>>
      %dma_start3A_994 = arith.constant 0 : i32
      %dma_start3A_995 = arith.constant 0 : i32
      %dma_start3A_996 = tpu.memref_slice %arg6[%dma_start3A_985, %dma_start3A_994, %dma_start3A_995] : memref<8x128x64xf32, #tpu.memory_space<vmem>> -> memref<1x128x64xf32, #tpu.memory_space<vmem>>
      %dma_start3A_997 = tpu.memref_squeeze %dma_start3A_996 : memref<1x128x64xf32, #tpu.memory_space<vmem>> -> memref<128x64xf32, #tpu.memory_space<vmem>>
      tpu.enqueue_dma source(%dma_start3A_997 : memref<128x64xf32, #tpu.memory_space<vmem>>) target(%dma_start3A_993 : memref<128x64xf32, #tpu.memory_space<hbm>>) target_semaphore(%arg17 : memref<!tpu.dma_semaphore, #tpu.memory_space<semaphore_mem>>)
      %mul3A_998 = arith.constant 8 : i32
      %mul3A_999 = arith.muli %scan3A_806, %mul3A_998 : i32
      %add3A_1000 = arith.constant 3 : i32
      %add3A_1001 = arith.addi %mul3A_999, %add3A_1000 : i32
      %sub3A_1002 = arith.constant 1 : i32
      %sub3A_1003 = arith.subi %add3A_1001, %sub3A_1002 : i32
      %mul3A_1004 = arith.constant 128 : i32
      %mul3A_1005 = arith.muli %sub3A_1003, %mul3A_1004 : i32
      %add3A_1006 = arith.addi %mul3A_2, %mul3A_1005 : i32
      %dma_wait3A_1007 = arith.constant 2 : i32
      %dma_wait3A_1008 = arith.constant 0 : i32
      %dma_wait3A_1009 = arith.constant 0 : i32
      %dma_wait3A_1010 = tpu.memref_slice %arg6[%dma_wait3A_1007, %dma_wait3A_1008, %dma_wait3A_1009] : memref<8x128x64xf32, #tpu.memory_space<vmem>> -> memref<1x128x64xf32, #tpu.memory_space<vmem>>
      %dma_wait3A_1011 = tpu.memref_squeeze %dma_wait3A_1010 : memref<1x128x64xf32, #tpu.memory_space<vmem>> -> memref<128x64xf32, #tpu.memory_space<vmem>>
      %dma_wait3A_1012 = arith.constant 0 : i32
      %dma_wait3A_1013 = tpu.memref_slice %arg4[%add3A_1006, %dma_wait3A_1012] : memref<819200x64xf32, #tpu.memory_space<hbm>> -> memref<128x64xf32, #tpu.memory_space<hbm>>
      %dma_wait3A_1014 = arith.constant 0 : i32
      %dma_wait3A_1015 = tpu.memref_slice %arg4[%add3A_1006, %dma_wait3A_1014] : memref<819200x64xf32, #tpu.memory_space<hbm>> -> memref<128x64xf32, #tpu.memory_space<hbm>>
      %dma_wait3A_1016 = arith.constant 0 : i32
      %dma_wait3A_1017 = arith.constant 0 : i32
      %dma_wait3A_1018 = tpu.memref_slice %arg6[%dma_wait3A_1007, %dma_wait3A_1016, %dma_wait3A_1017] : memref<8x128x64xf32, #tpu.memory_space<vmem>> -> memref<1x128x64xf32, #tpu.memory_space<vmem>>
      %dma_wait3A_1019 = tpu.memref_squeeze %dma_wait3A_1018 : memref<1x128x64xf32, #tpu.memory_space<vmem>> -> memref<128x64xf32, #tpu.memory_space<vmem>>
      tpu.wait_dma2 semaphore(%arg17 : memref<!tpu.dma_semaphore, #tpu.memory_space<semaphore_mem>>) src(%dma_wait3A_1019 : memref<128x64xf32, #tpu.memory_space<vmem>>) dst(%dma_wait3A_1015 : memref<128x64xf32, #tpu.memory_space<hbm>>)
      %sub3A_1020 = arith.constant 1 : i32
      %sub3A_1021 = arith.subi %add3A_1001, %sub3A_1020 : i32
      %add3A_1022 = arith.constant 8 : i32
      %add3A_1023 = arith.addi %sub3A_1021, %add3A_1022 : i32
      %mul3A_1024 = arith.constant 128 : i32
      %mul3A_1025 = arith.muli %add3A_1023, %mul3A_1024 : i32
      %dma_start3A_1026 = arith.constant 2 : i32
      %dma_start3A_1027 = arith.constant 0 : i32
      %dma_start3A_1028 = arith.constant 0 : i32
      %dma_start3A_1029 = tpu.memref_slice %arg6[%dma_start3A_1026, %dma_start3A_1027, %dma_start3A_1028] : memref<8x128x64xf32, #tpu.memory_space<vmem>> -> memref<1x128x64xf32, #tpu.memory_space<vmem>>
      %dma_start3A_1030 = tpu.memref_squeeze %dma_start3A_1029 : memref<1x128x64xf32, #tpu.memory_space<vmem>> -> memref<128x64xf32, #tpu.memory_space<vmem>>
      %dma_start3A_1031 = tpu.memref_slice %arg5[%mul3A_1025] : memref<25600xi32, #tpu.memory_space<vmem>> -> memref<128xi32, #tpu.memory_space<vmem>>
      %dma_start3A_1032 = arith.constant 0 : i32
      %dma_start3A_1033 = arith.constant 0 : i32
      %dma_start3A_1034 = tpu.memref_slice %arg2[%dma_start3A_1032, %dma_start3A_1033] : memref<100000x64xf32, #tpu.memory_space<hbm>> -> memref<100000x64xf32, #tpu.memory_space<hbm>>
      tpu.enqueue_indirect_dma source(%dma_start3A_1034 : memref<100000x64xf32, #tpu.memory_space<hbm>>) target(%dma_start3A_1030 : memref<128x64xf32, #tpu.memory_space<vmem>>) offsets(%dma_start3A_1031 : memref<128xi32, #tpu.memory_space<vmem>>) semaphore(%arg9 : memref<!tpu.dma_semaphore, #tpu.memory_space<semaphore_mem>>)
      %mul3A_1035 = arith.constant 128 : i32
      %mul3A_1036 = arith.muli %add3A_1001, %mul3A_1035 : i32
      %dma_wait3A_1037 = arith.constant 3 : i32
      %dma_wait3A_1038 = arith.constant 0 : i32
      %dma_wait3A_1039 = arith.constant 0 : i32
      %dma_wait3A_1040 = tpu.memref_slice %arg6[%dma_wait3A_1037, %dma_wait3A_1038, %dma_wait3A_1039] : memref<8x128x64xf32, #tpu.memory_space<vmem>> -> memref<1x128x64xf32, #tpu.memory_space<vmem>>
      %dma_wait3A_1041 = tpu.memref_squeeze %dma_wait3A_1040 : memref<1x128x64xf32, #tpu.memory_space<vmem>> -> memref<128x64xf32, #tpu.memory_space<vmem>>
      %dma_wait3A_1042 = tpu.memref_slice %arg5[%mul3A_1036] : memref<25600xi32, #tpu.memory_space<vmem>> -> memref<128xi32, #tpu.memory_space<vmem>>
      %dma_wait3A_1043 = arith.constant 0 : i32
      %dma_wait3A_1044 = arith.constant 0 : i32
      %dma_wait3A_1045 = tpu.memref_slice %arg2[%dma_wait3A_1043, %dma_wait3A_1044] : memref<100000x64xf32, #tpu.memory_space<hbm>> -> memref<100000x64xf32, #tpu.memory_space<hbm>>
      tpu.wait_indirect_dma semaphore(%arg10 : memref<!tpu.dma_semaphore, #tpu.memory_space<semaphore_mem>>) src(%dma_wait3A_1045 : memref<100000x64xf32, #tpu.memory_space<hbm>>) dst(%dma_wait3A_1041 : memref<128x64xf32, #tpu.memory_space<vmem>>)
      %mul3A_1046 = arith.constant 128 : i32
      %mul3A_1047 = arith.muli %add3A_1001, %mul3A_1046 : i32
      %add3A_1048 = arith.addi %mul3A_2, %mul3A_1047 : i32
      %dma_start3A_1049 = arith.constant 3 : i32
      %dma_start3A_1050 = arith.constant 0 : i32
      %dma_start3A_1051 = arith.constant 0 : i32
      %dma_start3A_1052 = tpu.memref_slice %arg6[%dma_start3A_1049, %dma_start3A_1050, %dma_start3A_1051] : memref<8x128x64xf32, #tpu.memory_space<vmem>> -> memref<1x128x64xf32, #tpu.memory_space<vmem>>
      %dma_start3A_1053 = tpu.memref_squeeze %dma_start3A_1052 : memref<1x128x64xf32, #tpu.memory_space<vmem>> -> memref<128x64xf32, #tpu.memory_space<vmem>>
      %dma_start3A_1054 = arith.constant 0 : i32
      %dma_start3A_1055 = tpu.memref_slice %arg4[%add3A_1048, %dma_start3A_1054] : memref<819200x64xf32, #tpu.memory_space<hbm>> -> memref<128x64xf32, #tpu.memory_space<hbm>>
      %dma_start3A_1056 = arith.constant 0 : i32
      %dma_start3A_1057 = tpu.memref_slice %arg4[%add3A_1048, %dma_start3A_1056] : memref<819200x64xf32, #tpu.memory_space<hbm>> -> memref<128x64xf32, #tpu.memory_space<hbm>>
      %dma_start3A_1058 = arith.constant 0 : i32
      %dma_start3A_1059 = arith.constant 0 : i32
      %dma_start3A_1060 = tpu.memref_slice %arg6[%dma_start3A_1049, %dma_start3A_1058, %dma_start3A_1059] : memref<8x128x64xf32, #tpu.memory_space<vmem>> -> memref<1x128x64xf32, #tpu.memory_space<vmem>>
      %dma_start3A_1061 = tpu.memref_squeeze %dma_start3A_1060 : memref<1x128x64xf32, #tpu.memory_space<vmem>> -> memref<128x64xf32, #tpu.memory_space<vmem>>
      tpu.enqueue_dma source(%dma_start3A_1061 : memref<128x64xf32, #tpu.memory_space<vmem>>) target(%dma_start3A_1057 : memref<128x64xf32, #tpu.memory_space<hbm>>) target_semaphore(%arg18 : memref<!tpu.dma_semaphore, #tpu.memory_space<semaphore_mem>>)
      %mul3A_1062 = arith.constant 8 : i32
      %mul3A_1063 = arith.muli %scan3A_806, %mul3A_1062 : i32
      %add3A_1064 = arith.constant 4 : i32
      %add3A_1065 = arith.addi %mul3A_1063, %add3A_1064 : i32
      %sub3A_1066 = arith.constant 1 : i32
      %sub3A_1067 = arith.subi %add3A_1065, %sub3A_1066 : i32
      %mul3A_1068 = arith.constant 128 : i32
      %mul3A_1069 = arith.muli %sub3A_1067, %mul3A_1068 : i32
      %add3A_1070 = arith.addi %mul3A_2, %mul3A_1069 : i32
      %dma_wait3A_1071 = arith.constant 3 : i32
      %dma_wait3A_1072 = arith.constant 0 : i32
      %dma_wait3A_1073 = arith.constant 0 : i32
      %dma_wait3A_1074 = tpu.memref_slice %arg6[%dma_wait3A_1071, %dma_wait3A_1072, %dma_wait3A_1073] : memref<8x128x64xf32, #tpu.memory_space<vmem>> -> memref<1x128x64xf32, #tpu.memory_space<vmem>>
      %dma_wait3A_1075 = tpu.memref_squeeze %dma_wait3A_1074 : memref<1x128x64xf32, #tpu.memory_space<vmem>> -> memref<128x64xf32, #tpu.memory_space<vmem>>
      %dma_wait3A_1076 = arith.constant 0 : i32
      %dma_wait3A_1077 = tpu.memref_slice %arg4[%add3A_1070, %dma_wait3A_1076] : memref<819200x64xf32, #tpu.memory_space<hbm>> -> memref<128x64xf32, #tpu.memory_space<hbm>>
      %dma_wait3A_1078 = arith.constant 0 : i32
      %dma_wait3A_1079 = tpu.memref_slice %arg4[%add3A_1070, %dma_wait3A_1078] : memref<819200x64xf32, #tpu.memory_space<hbm>> -> memref<128x64xf32, #tpu.memory_space<hbm>>
      %dma_wait3A_1080 = arith.constant 0 : i32
      %dma_wait3A_1081 = arith.constant 0 : i32
      %dma_wait3A_1082 = tpu.memref_slice %arg6[%dma_wait3A_1071, %dma_wait3A_1080, %dma_wait3A_1081] : memref<8x128x64xf32, #tpu.memory_space<vmem>> -> memref<1x128x64xf32, #tpu.memory_space<vmem>>
      %dma_wait3A_1083 = tpu.memref_squeeze %dma_wait3A_1082 : memref<1x128x64xf32, #tpu.memory_space<vmem>> -> memref<128x64xf32, #tpu.memory_space<vmem>>
      tpu.wait_dma2 semaphore(%arg18 : memref<!tpu.dma_semaphore, #tpu.memory_space<semaphore_mem>>) src(%dma_wait3A_1083 : memref<128x64xf32, #tpu.memory_space<vmem>>) dst(%dma_wait3A_1079 : memref<128x64xf32, #tpu.memory_space<hbm>>)
      %sub3A_1084 = arith.constant 1 : i32
      %sub3A_1085 = arith.subi %add3A_1065, %sub3A_1084 : i32
      %add3A_1086 = arith.constant 8 : i32
      %add3A_1087 = arith.addi %sub3A_1085, %add3A_1086 : i32
      %mul3A_1088 = arith.constant 128 : i32
      %mul3A_1089 = arith.muli %add3A_1087, %mul3A_1088 : i32
      %dma_start3A_1090 = arith.constant 3 : i32
      %dma_start3A_1091 = arith.constant 0 : i32
      %dma_start3A_1092 = arith.constant 0 : i32
      %dma_start3A_1093 = tpu.memref_slice %arg6[%dma_start3A_1090, %dma_start3A_1091, %dma_start3A_1092] : memref<8x128x64xf32, #tpu.memory_space<vmem>> -> memref<1x128x64xf32, #tpu.memory_space<vmem>>
      %dma_start3A_1094 = tpu.memref_squeeze %dma_start3A_1093 : memref<1x128x64xf32, #tpu.memory_space<vmem>> -> memref<128x64xf32, #tpu.memory_space<vmem>>
      %dma_start3A_1095 = tpu.memref_slice %arg5[%mul3A_1089] : memref<25600xi32, #tpu.memory_space<vmem>> -> memref<128xi32, #tpu.memory_space<vmem>>
      %dma_start3A_1096 = arith.constant 0 : i32
      %dma_start3A_1097 = arith.constant 0 : i32
      %dma_start3A_1098 = tpu.memref_slice %arg2[%dma_start3A_1096, %dma_start3A_1097] : memref<100000x64xf32, #tpu.memory_space<hbm>> -> memref<100000x64xf32, #tpu.memory_space<hbm>>
      tpu.enqueue_indirect_dma source(%dma_start3A_1098 : memref<100000x64xf32, #tpu.memory_space<hbm>>) target(%dma_start3A_1094 : memref<128x64xf32, #tpu.memory_space<vmem>>) offsets(%dma_start3A_1095 : memref<128xi32, #tpu.memory_space<vmem>>) semaphore(%arg10 : memref<!tpu.dma_semaphore, #tpu.memory_space<semaphore_mem>>)
      %mul3A_1099 = arith.constant 128 : i32
      %mul3A_1100 = arith.muli %add3A_1065, %mul3A_1099 : i32
      %dma_wait3A_1101 = arith.constant 4 : i32
      %dma_wait3A_1102 = arith.constant 0 : i32
      %dma_wait3A_1103 = arith.constant 0 : i32
      %dma_wait3A_1104 = tpu.memref_slice %arg6[%dma_wait3A_1101, %dma_wait3A_1102, %dma_wait3A_1103] : memref<8x128x64xf32, #tpu.memory_space<vmem>> -> memref<1x128x64xf32, #tpu.memory_space<vmem>>
      %dma_wait3A_1105 = tpu.memref_squeeze %dma_wait3A_1104 : memref<1x128x64xf32, #tpu.memory_space<vmem>> -> memref<128x64xf32, #tpu.memory_space<vmem>>
      %dma_wait3A_1106 = tpu.memref_slice %arg5[%mul3A_1100] : memref<25600xi32, #tpu.memory_space<vmem>> -> memref<128xi32, #tpu.memory_space<vmem>>
      %dma_wait3A_1107 = arith.constant 0 : i32
      %dma_wait3A_1108 = arith.constant 0 : i32
      %dma_wait3A_1109 = tpu.memref_slice %arg2[%dma_wait3A_1107, %dma_wait3A_1108] : memref<100000x64xf32, #tpu.memory_space<hbm>> -> memref<100000x64xf32, #tpu.memory_space<hbm>>
      tpu.wait_indirect_dma semaphore(%arg11 : memref<!tpu.dma_semaphore, #tpu.memory_space<semaphore_mem>>) src(%dma_wait3A_1109 : memref<100000x64xf32, #tpu.memory_space<hbm>>) dst(%dma_wait3A_1105 : memref<128x64xf32, #tpu.memory_space<vmem>>)
      %mul3A_1110 = arith.constant 128 : i32
      %mul3A_1111 = arith.muli %add3A_1065, %mul3A_1110 : i32
      %add3A_1112 = arith.addi %mul3A_2, %mul3A_1111 : i32
      %dma_start3A_1113 = arith.constant 4 : i32
      %dma_start3A_1114 = arith.constant 0 : i32
      %dma_start3A_1115 = arith.constant 0 : i32
      %dma_start3A_1116 = tpu.memref_slice %arg6[%dma_start3A_1113, %dma_start3A_1114, %dma_start3A_1115] : memref<8x128x64xf32, #tpu.memory_space<vmem>> -> memref<1x128x64xf32, #tpu.memory_space<vmem>>
      %dma_start3A_1117 = tpu.memref_squeeze %dma_start3A_1116 : memref<1x128x64xf32, #tpu.memory_space<vmem>> -> memref<128x64xf32, #tpu.memory_space<vmem>>
      %dma_start3A_1118 = arith.constant 0 : i32
      %dma_start3A_1119 = tpu.memref_slice %arg4[%add3A_1112, %dma_start3A_1118] : memref<819200x64xf32, #tpu.memory_space<hbm>> -> memref<128x64xf32, #tpu.memory_space<hbm>>
      %dma_start3A_1120 = arith.constant 0 : i32
      %dma_start3A_1121 = tpu.memref_slice %arg4[%add3A_1112, %dma_start3A_1120] : memref<819200x64xf32, #tpu.memory_space<hbm>> -> memref<128x64xf32, #tpu.memory_space<hbm>>
      %dma_start3A_1122 = arith.constant 0 : i32
      %dma_start3A_1123 = arith.constant 0 : i32
      %dma_start3A_1124 = tpu.memref_slice %arg6[%dma_start3A_1113, %dma_start3A_1122, %dma_start3A_1123] : memref<8x128x64xf32, #tpu.memory_space<vmem>> -> memref<1x128x64xf32, #tpu.memory_space<vmem>>
      %dma_start3A_1125 = tpu.memref_squeeze %dma_start3A_1124 : memref<1x128x64xf32, #tpu.memory_space<vmem>> -> memref<128x64xf32, #tpu.memory_space<vmem>>
      tpu.enqueue_dma source(%dma_start3A_1125 : memref<128x64xf32, #tpu.memory_space<vmem>>) target(%dma_start3A_1121 : memref<128x64xf32, #tpu.memory_space<hbm>>) target_semaphore(%arg19 : memref<!tpu.dma_semaphore, #tpu.memory_space<semaphore_mem>>)
      %mul3A_1126 = arith.constant 8 : i32
      %mul3A_1127 = arith.muli %scan3A_806, %mul3A_1126 : i32
      %add3A_1128 = arith.constant 5 : i32
      %add3A_1129 = arith.addi %mul3A_1127, %add3A_1128 : i32
      %sub3A_1130 = arith.constant 1 : i32
      %sub3A_1131 = arith.subi %add3A_1129, %sub3A_1130 : i32
      %mul3A_1132 = arith.constant 128 : i32
      %mul3A_1133 = arith.muli %sub3A_1131, %mul3A_1132 : i32
      %add3A_1134 = arith.addi %mul3A_2, %mul3A_1133 : i32
      %dma_wait3A_1135 = arith.constant 4 : i32
      %dma_wait3A_1136 = arith.constant 0 : i32
      %dma_wait3A_1137 = arith.constant 0 : i32
      %dma_wait3A_1138 = tpu.memref_slice %arg6[%dma_wait3A_1135, %dma_wait3A_1136, %dma_wait3A_1137] : memref<8x128x64xf32, #tpu.memory_space<vmem>> -> memref<1x128x64xf32, #tpu.memory_space<vmem>>
      %dma_wait3A_1139 = tpu.memref_squeeze %dma_wait3A_1138 : memref<1x128x64xf32, #tpu.memory_space<vmem>> -> memref<128x64xf32, #tpu.memory_space<vmem>>
      %dma_wait3A_1140 = arith.constant 0 : i32
      %dma_wait3A_1141 = tpu.memref_slice %arg4[%add3A_1134, %dma_wait3A_1140] : memref<819200x64xf32, #tpu.memory_space<hbm>> -> memref<128x64xf32, #tpu.memory_space<hbm>>
      %dma_wait3A_1142 = arith.constant 0 : i32
      %dma_wait3A_1143 = tpu.memref_slice %arg4[%add3A_1134, %dma_wait3A_1142] : memref<819200x64xf32, #tpu.memory_space<hbm>> -> memref<128x64xf32, #tpu.memory_space<hbm>>
      %dma_wait3A_1144 = arith.constant 0 : i32
      %dma_wait3A_1145 = arith.constant 0 : i32
      %dma_wait3A_1146 = tpu.memref_slice %arg6[%dma_wait3A_1135, %dma_wait3A_1144, %dma_wait3A_1145] : memref<8x128x64xf32, #tpu.memory_space<vmem>> -> memref<1x128x64xf32, #tpu.memory_space<vmem>>
      %dma_wait3A_1147 = tpu.memref_squeeze %dma_wait3A_1146 : memref<1x128x64xf32, #tpu.memory_space<vmem>> -> memref<128x64xf32, #tpu.memory_space<vmem>>
      tpu.wait_dma2 semaphore(%arg19 : memref<!tpu.dma_semaphore, #tpu.memory_space<semaphore_mem>>) src(%dma_wait3A_1147 : memref<128x64xf32, #tpu.memory_space<vmem>>) dst(%dma_wait3A_1143 : memref<128x64xf32, #tpu.memory_space<hbm>>)
      %sub3A_1148 = arith.constant 1 : i32
      %sub3A_1149 = arith.subi %add3A_1129, %sub3A_1148 : i32
      %add3A_1150 = arith.constant 8 : i32
      %add3A_1151 = arith.addi %sub3A_1149, %add3A_1150 : i32
      %mul3A_1152 = arith.constant 128 : i32
      %mul3A_1153 = arith.muli %add3A_1151, %mul3A_1152 : i32
      %dma_start3A_1154 = arith.constant 4 : i32
      %dma_start3A_1155 = arith.constant 0 : i32
      %dma_start3A_1156 = arith.constant 0 : i32
      %dma_start3A_1157 = tpu.memref_slice %arg6[%dma_start3A_1154, %dma_start3A_1155, %dma_start3A_1156] : memref<8x128x64xf32, #tpu.memory_space<vmem>> -> memref<1x128x64xf32, #tpu.memory_space<vmem>>
      %dma_start3A_1158 = tpu.memref_squeeze %dma_start3A_1157 : memref<1x128x64xf32, #tpu.memory_space<vmem>> -> memref<128x64xf32, #tpu.memory_space<vmem>>
      %dma_start3A_1159 = tpu.memref_slice %arg5[%mul3A_1153] : memref<25600xi32, #tpu.memory_space<vmem>> -> memref<128xi32, #tpu.memory_space<vmem>>
      %dma_start3A_1160 = arith.constant 0 : i32
      %dma_start3A_1161 = arith.constant 0 : i32
      %dma_start3A_1162 = tpu.memref_slice %arg2[%dma_start3A_1160, %dma_start3A_1161] : memref<100000x64xf32, #tpu.memory_space<hbm>> -> memref<100000x64xf32, #tpu.memory_space<hbm>>
      tpu.enqueue_indirect_dma source(%dma_start3A_1162 : memref<100000x64xf32, #tpu.memory_space<hbm>>) target(%dma_start3A_1158 : memref<128x64xf32, #tpu.memory_space<vmem>>) offsets(%dma_start3A_1159 : memref<128xi32, #tpu.memory_space<vmem>>) semaphore(%arg11 : memref<!tpu.dma_semaphore, #tpu.memory_space<semaphore_mem>>)
      %mul3A_1163 = arith.constant 128 : i32
      %mul3A_1164 = arith.muli %add3A_1129, %mul3A_1163 : i32
      %dma_wait3A_1165 = arith.constant 5 : i32
      %dma_wait3A_1166 = arith.constant 0 : i32
      %dma_wait3A_1167 = arith.constant 0 : i32
      %dma_wait3A_1168 = tpu.memref_slice %arg6[%dma_wait3A_1165, %dma_wait3A_1166, %dma_wait3A_1167] : memref<8x128x64xf32, #tpu.memory_space<vmem>> -> memref<1x128x64xf32, #tpu.memory_space<vmem>>
      %dma_wait3A_1169 = tpu.memref_squeeze %dma_wait3A_1168 : memref<1x128x64xf32, #tpu.memory_space<vmem>> -> memref<128x64xf32, #tpu.memory_space<vmem>>
      %dma_wait3A_1170 = tpu.memref_slice %arg5[%mul3A_1164] : memref<25600xi32, #tpu.memory_space<vmem>> -> memref<128xi32, #tpu.memory_space<vmem>>
      %dma_wait3A_1171 = arith.constant 0 : i32
      %dma_wait3A_1172 = arith.constant 0 : i32
      %dma_wait3A_1173 = tpu.memref_slice %arg2[%dma_wait3A_1171, %dma_wait3A_1172] : memref<100000x64xf32, #tpu.memory_space<hbm>> -> memref<100000x64xf32, #tpu.memory_space<hbm>>
      tpu.wait_indirect_dma semaphore(%arg12 : memref<!tpu.dma_semaphore, #tpu.memory_space<semaphore_mem>>) src(%dma_wait3A_1173 : memref<100000x64xf32, #tpu.memory_space<hbm>>) dst(%dma_wait3A_1169 : memref<128x64xf32, #tpu.memory_space<vmem>>)
      %mul3A_1174 = arith.constant 128 : i32
      %mul3A_1175 = arith.muli %add3A_1129, %mul3A_1174 : i32
      %add3A_1176 = arith.addi %mul3A_2, %mul3A_1175 : i32
      %dma_start3A_1177 = arith.constant 5 : i32
      %dma_start3A_1178 = arith.constant 0 : i32
      %dma_start3A_1179 = arith.constant 0 : i32
      %dma_start3A_1180 = tpu.memref_slice %arg6[%dma_start3A_1177, %dma_start3A_1178, %dma_start3A_1179] : memref<8x128x64xf32, #tpu.memory_space<vmem>> -> memref<1x128x64xf32, #tpu.memory_space<vmem>>
      %dma_start3A_1181 = tpu.memref_squeeze %dma_start3A_1180 : memref<1x128x64xf32, #tpu.memory_space<vmem>> -> memref<128x64xf32, #tpu.memory_space<vmem>>
      %dma_start3A_1182 = arith.constant 0 : i32
      %dma_start3A_1183 = tpu.memref_slice %arg4[%add3A_1176, %dma_start3A_1182] : memref<819200x64xf32, #tpu.memory_space<hbm>> -> memref<128x64xf32, #tpu.memory_space<hbm>>
      %dma_start3A_1184 = arith.constant 0 : i32
      %dma_start3A_1185 = tpu.memref_slice %arg4[%add3A_1176, %dma_start3A_1184] : memref<819200x64xf32, #tpu.memory_space<hbm>> -> memref<128x64xf32, #tpu.memory_space<hbm>>
      %dma_start3A_1186 = arith.constant 0 : i32
      %dma_start3A_1187 = arith.constant 0 : i32
      %dma_start3A_1188 = tpu.memref_slice %arg6[%dma_start3A_1177, %dma_start3A_1186, %dma_start3A_1187] : memref<8x128x64xf32, #tpu.memory_space<vmem>> -> memref<1x128x64xf32, #tpu.memory_space<vmem>>
      %dma_start3A_1189 = tpu.memref_squeeze %dma_start3A_1188 : memref<1x128x64xf32, #tpu.memory_space<vmem>> -> memref<128x64xf32, #tpu.memory_space<vmem>>
      tpu.enqueue_dma source(%dma_start3A_1189 : memref<128x64xf32, #tpu.memory_space<vmem>>) target(%dma_start3A_1185 : memref<128x64xf32, #tpu.memory_space<hbm>>) target_semaphore(%arg20 : memref<!tpu.dma_semaphore, #tpu.memory_space<semaphore_mem>>)
      %mul3A_1190 = arith.constant 8 : i32
      %mul3A_1191 = arith.muli %scan3A_806, %mul3A_1190 : i32
      %add3A_1192 = arith.constant 6 : i32
      %add3A_1193 = arith.addi %mul3A_1191, %add3A_1192 : i32
      %sub3A_1194 = arith.constant 1 : i32
      %sub3A_1195 = arith.subi %add3A_1193, %sub3A_1194 : i32
      %mul3A_1196 = arith.constant 128 : i32
      %mul3A_1197 = arith.muli %sub3A_1195, %mul3A_1196 : i32
      %add3A_1198 = arith.addi %mul3A_2, %mul3A_1197 : i32
      %dma_wait3A_1199 = arith.constant 5 : i32
      %dma_wait3A_1200 = arith.constant 0 : i32
      %dma_wait3A_1201 = arith.constant 0 : i32
      %dma_wait3A_1202 = tpu.memref_slice %arg6[%dma_wait3A_1199, %dma_wait3A_1200, %dma_wait3A_1201] : memref<8x128x64xf32, #tpu.memory_space<vmem>> -> memref<1x128x64xf32, #tpu.memory_space<vmem>>
      %dma_wait3A_1203 = tpu.memref_squeeze %dma_wait3A_1202 : memref<1x128x64xf32, #tpu.memory_space<vmem>> -> memref<128x64xf32, #tpu.memory_space<vmem>>
      %dma_wait3A_1204 = arith.constant 0 : i32
      %dma_wait3A_1205 = tpu.memref_slice %arg4[%add3A_1198, %dma_wait3A_1204] : memref<819200x64xf32, #tpu.memory_space<hbm>> -> memref<128x64xf32, #tpu.memory_space<hbm>>
      %dma_wait3A_1206 = arith.constant 0 : i32
      %dma_wait3A_1207 = tpu.memref_slice %arg4[%add3A_1198, %dma_wait3A_1206] : memref<819200x64xf32, #tpu.memory_space<hbm>> -> memref<128x64xf32, #tpu.memory_space<hbm>>
      %dma_wait3A_1208 = arith.constant 0 : i32
      %dma_wait3A_1209 = arith.constant 0 : i32
      %dma_wait3A_1210 = tpu.memref_slice %arg6[%dma_wait3A_1199, %dma_wait3A_1208, %dma_wait3A_1209] : memref<8x128x64xf32, #tpu.memory_space<vmem>> -> memref<1x128x64xf32, #tpu.memory_space<vmem>>
      %dma_wait3A_1211 = tpu.memref_squeeze %dma_wait3A_1210 : memref<1x128x64xf32, #tpu.memory_space<vmem>> -> memref<128x64xf32, #tpu.memory_space<vmem>>
      tpu.wait_dma2 semaphore(%arg20 : memref<!tpu.dma_semaphore, #tpu.memory_space<semaphore_mem>>) src(%dma_wait3A_1211 : memref<128x64xf32, #tpu.memory_space<vmem>>) dst(%dma_wait3A_1207 : memref<128x64xf32, #tpu.memory_space<hbm>>)
      %sub3A_1212 = arith.constant 1 : i32
      %sub3A_1213 = arith.subi %add3A_1193, %sub3A_1212 : i32
      %add3A_1214 = arith.constant 8 : i32
      %add3A_1215 = arith.addi %sub3A_1213, %add3A_1214 : i32
      %mul3A_1216 = arith.constant 128 : i32
      %mul3A_1217 = arith.muli %add3A_1215, %mul3A_1216 : i32
      %dma_start3A_1218 = arith.constant 5 : i32
      %dma_start3A_1219 = arith.constant 0 : i32
      %dma_start3A_1220 = arith.constant 0 : i32
      %dma_start3A_1221 = tpu.memref_slice %arg6[%dma_start3A_1218, %dma_start3A_1219, %dma_start3A_1220] : memref<8x128x64xf32, #tpu.memory_space<vmem>> -> memref<1x128x64xf32, #tpu.memory_space<vmem>>
      %dma_start3A_1222 = tpu.memref_squeeze %dma_start3A_1221 : memref<1x128x64xf32, #tpu.memory_space<vmem>> -> memref<128x64xf32, #tpu.memory_space<vmem>>
      %dma_start3A_1223 = tpu.memref_slice %arg5[%mul3A_1217] : memref<25600xi32, #tpu.memory_space<vmem>> -> memref<128xi32, #tpu.memory_space<vmem>>
      %dma_start3A_1224 = arith.constant 0 : i32
      %dma_start3A_1225 = arith.constant 0 : i32
      %dma_start3A_1226 = tpu.memref_slice %arg2[%dma_start3A_1224, %dma_start3A_1225] : memref<100000x64xf32, #tpu.memory_space<hbm>> -> memref<100000x64xf32, #tpu.memory_space<hbm>>
      tpu.enqueue_indirect_dma source(%dma_start3A_1226 : memref<100000x64xf32, #tpu.memory_space<hbm>>) target(%dma_start3A_1222 : memref<128x64xf32, #tpu.memory_space<vmem>>) offsets(%dma_start3A_1223 : memref<128xi32, #tpu.memory_space<vmem>>) semaphore(%arg12 : memref<!tpu.dma_semaphore, #tpu.memory_space<semaphore_mem>>)
      %mul3A_1227 = arith.constant 128 : i32
      %mul3A_1228 = arith.muli %add3A_1193, %mul3A_1227 : i32
      %dma_wait3A_1229 = arith.constant 6 : i32
      %dma_wait3A_1230 = arith.constant 0 : i32
      %dma_wait3A_1231 = arith.constant 0 : i32
      %dma_wait3A_1232 = tpu.memref_slice %arg6[%dma_wait3A_1229, %dma_wait3A_1230, %dma_wait3A_1231] : memref<8x128x64xf32, #tpu.memory_space<vmem>> -> memref<1x128x64xf32, #tpu.memory_space<vmem>>
      %dma_wait3A_1233 = tpu.memref_squeeze %dma_wait3A_1232 : memref<1x128x64xf32, #tpu.memory_space<vmem>> -> memref<128x64xf32, #tpu.memory_space<vmem>>
      %dma_wait3A_1234 = tpu.memref_slice %arg5[%mul3A_1228] : memref<25600xi32, #tpu.memory_space<vmem>> -> memref<128xi32, #tpu.memory_space<vmem>>
      %dma_wait3A_1235 = arith.constant 0 : i32
      %dma_wait3A_1236 = arith.constant 0 : i32
      %dma_wait3A_1237 = tpu.memref_slice %arg2[%dma_wait3A_1235, %dma_wait3A_1236] : memref<100000x64xf32, #tpu.memory_space<hbm>> -> memref<100000x64xf32, #tpu.memory_space<hbm>>
      tpu.wait_indirect_dma semaphore(%arg13 : memref<!tpu.dma_semaphore, #tpu.memory_space<semaphore_mem>>) src(%dma_wait3A_1237 : memref<100000x64xf32, #tpu.memory_space<hbm>>) dst(%dma_wait3A_1233 : memref<128x64xf32, #tpu.memory_space<vmem>>)
      %mul3A_1238 = arith.constant 128 : i32
      %mul3A_1239 = arith.muli %add3A_1193, %mul3A_1238 : i32
      %add3A_1240 = arith.addi %mul3A_2, %mul3A_1239 : i32
      %dma_start3A_1241 = arith.constant 6 : i32
      %dma_start3A_1242 = arith.constant 0 : i32
      %dma_start3A_1243 = arith.constant 0 : i32
      %dma_start3A_1244 = tpu.memref_slice %arg6[%dma_start3A_1241, %dma_start3A_1242, %dma_start3A_1243] : memref<8x128x64xf32, #tpu.memory_space<vmem>> -> memref<1x128x64xf32, #tpu.memory_space<vmem>>
      %dma_start3A_1245 = tpu.memref_squeeze %dma_start3A_1244 : memref<1x128x64xf32, #tpu.memory_space<vmem>> -> memref<128x64xf32, #tpu.memory_space<vmem>>
      %dma_start3A_1246 = arith.constant 0 : i32
      %dma_start3A_1247 = tpu.memref_slice %arg4[%add3A_1240, %dma_start3A_1246] : memref<819200x64xf32, #tpu.memory_space<hbm>> -> memref<128x64xf32, #tpu.memory_space<hbm>>
      %dma_start3A_1248 = arith.constant 0 : i32
      %dma_start3A_1249 = tpu.memref_slice %arg4[%add3A_1240, %dma_start3A_1248] : memref<819200x64xf32, #tpu.memory_space<hbm>> -> memref<128x64xf32, #tpu.memory_space<hbm>>
      %dma_start3A_1250 = arith.constant 0 : i32
      %dma_start3A_1251 = arith.constant 0 : i32
      %dma_start3A_1252 = tpu.memref_slice %arg6[%dma_start3A_1241, %dma_start3A_1250, %dma_start3A_1251] : memref<8x128x64xf32, #tpu.memory_space<vmem>> -> memref<1x128x64xf32, #tpu.memory_space<vmem>>
      %dma_start3A_1253 = tpu.memref_squeeze %dma_start3A_1252 : memref<1x128x64xf32, #tpu.memory_space<vmem>> -> memref<128x64xf32, #tpu.memory_space<vmem>>
      tpu.enqueue_dma source(%dma_start3A_1253 : memref<128x64xf32, #tpu.memory_space<vmem>>) target(%dma_start3A_1249 : memref<128x64xf32, #tpu.memory_space<hbm>>) target_semaphore(%arg21 : memref<!tpu.dma_semaphore, #tpu.memory_space<semaphore_mem>>)
      %mul3A_1254 = arith.constant 8 : i32
      %mul3A_1255 = arith.muli %scan3A_806, %mul3A_1254 : i32
      %add3A_1256 = arith.constant 7 : i32
      %add3A_1257 = arith.addi %mul3A_1255, %add3A_1256 : i32
      %sub3A_1258 = arith.constant 1 : i32
      %sub3A_1259 = arith.subi %add3A_1257, %sub3A_1258 : i32
      %mul3A_1260 = arith.constant 128 : i32
      %mul3A_1261 = arith.muli %sub3A_1259, %mul3A_1260 : i32
      %add3A_1262 = arith.addi %mul3A_2, %mul3A_1261 : i32
      %dma_wait3A_1263 = arith.constant 6 : i32
      %dma_wait3A_1264 = arith.constant 0 : i32
      %dma_wait3A_1265 = arith.constant 0 : i32
      %dma_wait3A_1266 = tpu.memref_slice %arg6[%dma_wait3A_1263, %dma_wait3A_1264, %dma_wait3A_1265] : memref<8x128x64xf32, #tpu.memory_space<vmem>> -> memref<1x128x64xf32, #tpu.memory_space<vmem>>
      %dma_wait3A_1267 = tpu.memref_squeeze %dma_wait3A_1266 : memref<1x128x64xf32, #tpu.memory_space<vmem>> -> memref<128x64xf32, #tpu.memory_space<vmem>>
      %dma_wait3A_1268 = arith.constant 0 : i32
      %dma_wait3A_1269 = tpu.memref_slice %arg4[%add3A_1262, %dma_wait3A_1268] : memref<819200x64xf32, #tpu.memory_space<hbm>> -> memref<128x64xf32, #tpu.memory_space<hbm>>
      %dma_wait3A_1270 = arith.constant 0 : i32
      %dma_wait3A_1271 = tpu.memref_slice %arg4[%add3A_1262, %dma_wait3A_1270] : memref<819200x64xf32, #tpu.memory_space<hbm>> -> memref<128x64xf32, #tpu.memory_space<hbm>>
      %dma_wait3A_1272 = arith.constant 0 : i32
      %dma_wait3A_1273 = arith.constant 0 : i32
      %dma_wait3A_1274 = tpu.memref_slice %arg6[%dma_wait3A_1263, %dma_wait3A_1272, %dma_wait3A_1273] : memref<8x128x64xf32, #tpu.memory_space<vmem>> -> memref<1x128x64xf32, #tpu.memory_space<vmem>>
      %dma_wait3A_1275 = tpu.memref_squeeze %dma_wait3A_1274 : memref<1x128x64xf32, #tpu.memory_space<vmem>> -> memref<128x64xf32, #tpu.memory_space<vmem>>
      tpu.wait_dma2 semaphore(%arg21 : memref<!tpu.dma_semaphore, #tpu.memory_space<semaphore_mem>>) src(%dma_wait3A_1275 : memref<128x64xf32, #tpu.memory_space<vmem>>) dst(%dma_wait3A_1271 : memref<128x64xf32, #tpu.memory_space<hbm>>)
      %sub3A_1276 = arith.constant 1 : i32
      %sub3A_1277 = arith.subi %add3A_1257, %sub3A_1276 : i32
      %add3A_1278 = arith.constant 8 : i32
      %add3A_1279 = arith.addi %sub3A_1277, %add3A_1278 : i32
      %mul3A_1280 = arith.constant 128 : i32
      %mul3A_1281 = arith.muli %add3A_1279, %mul3A_1280 : i32
      %dma_start3A_1282 = arith.constant 6 : i32
      %dma_start3A_1283 = arith.constant 0 : i32
      %dma_start3A_1284 = arith.constant 0 : i32
      %dma_start3A_1285 = tpu.memref_slice %arg6[%dma_start3A_1282, %dma_start3A_1283, %dma_start3A_1284] : memref<8x128x64xf32, #tpu.memory_space<vmem>> -> memref<1x128x64xf32, #tpu.memory_space<vmem>>
      %dma_start3A_1286 = tpu.memref_squeeze %dma_start3A_1285 : memref<1x128x64xf32, #tpu.memory_space<vmem>> -> memref<128x64xf32, #tpu.memory_space<vmem>>
      %dma_start3A_1287 = tpu.memref_slice %arg5[%mul3A_1281] : memref<25600xi32, #tpu.memory_space<vmem>> -> memref<128xi32, #tpu.memory_space<vmem>>
      %dma_start3A_1288 = arith.constant 0 : i32
      %dma_start3A_1289 = arith.constant 0 : i32
      %dma_start3A_1290 = tpu.memref_slice %arg2[%dma_start3A_1288, %dma_start3A_1289] : memref<100000x64xf32, #tpu.memory_space<hbm>> -> memref<100000x64xf32, #tpu.memory_space<hbm>>
      tpu.enqueue_indirect_dma source(%dma_start3A_1290 : memref<100000x64xf32, #tpu.memory_space<hbm>>) target(%dma_start3A_1286 : memref<128x64xf32, #tpu.memory_space<vmem>>) offsets(%dma_start3A_1287 : memref<128xi32, #tpu.memory_space<vmem>>) semaphore(%arg13 : memref<!tpu.dma_semaphore, #tpu.memory_space<semaphore_mem>>)
      %mul3A_1291 = arith.constant 128 : i32
      %mul3A_1292 = arith.muli %add3A_1257, %mul3A_1291 : i32
      %dma_wait3A_1293 = arith.constant 7 : i32
      %dma_wait3A_1294 = arith.constant 0 : i32
      %dma_wait3A_1295 = arith.constant 0 : i32
      %dma_wait3A_1296 = tpu.memref_slice %arg6[%dma_wait3A_1293, %dma_wait3A_1294, %dma_wait3A_1295] : memref<8x128x64xf32, #tpu.memory_space<vmem>> -> memref<1x128x64xf32, #tpu.memory_space<vmem>>
      %dma_wait3A_1297 = tpu.memref_squeeze %dma_wait3A_1296 : memref<1x128x64xf32, #tpu.memory_space<vmem>> -> memref<128x64xf32, #tpu.memory_space<vmem>>
      %dma_wait3A_1298 = tpu.memref_slice %arg5[%mul3A_1292] : memref<25600xi32, #tpu.memory_space<vmem>> -> memref<128xi32, #tpu.memory_space<vmem>>
      %dma_wait3A_1299 = arith.constant 0 : i32
      %dma_wait3A_1300 = arith.constant 0 : i32
      %dma_wait3A_1301 = tpu.memref_slice %arg2[%dma_wait3A_1299, %dma_wait3A_1300] : memref<100000x64xf32, #tpu.memory_space<hbm>> -> memref<100000x64xf32, #tpu.memory_space<hbm>>
      tpu.wait_indirect_dma semaphore(%arg14 : memref<!tpu.dma_semaphore, #tpu.memory_space<semaphore_mem>>) src(%dma_wait3A_1301 : memref<100000x64xf32, #tpu.memory_space<hbm>>) dst(%dma_wait3A_1297 : memref<128x64xf32, #tpu.memory_space<vmem>>)
      %mul3A_1302 = arith.constant 128 : i32
      %mul3A_1303 = arith.muli %add3A_1257, %mul3A_1302 : i32
      %add3A_1304 = arith.addi %mul3A_2, %mul3A_1303 : i32
      %dma_start3A_1305 = arith.constant 7 : i32
      %dma_start3A_1306 = arith.constant 0 : i32
      %dma_start3A_1307 = arith.constant 0 : i32
      %dma_start3A_1308 = tpu.memref_slice %arg6[%dma_start3A_1305, %dma_start3A_1306, %dma_start3A_1307] : memref<8x128x64xf32, #tpu.memory_space<vmem>> -> memref<1x128x64xf32, #tpu.memory_space<vmem>>
      %dma_start3A_1309 = tpu.memref_squeeze %dma_start3A_1308 : memref<1x128x64xf32, #tpu.memory_space<vmem>> -> memref<128x64xf32, #tpu.memory_space<vmem>>
      %dma_start3A_1310 = arith.constant 0 : i32
      %dma_start3A_1311 = tpu.memref_slice %arg4[%add3A_1304, %dma_start3A_1310] : memref<819200x64xf32, #tpu.memory_space<hbm>> -> memref<128x64xf32, #tpu.memory_space<hbm>>
      %dma_start3A_1312 = arith.constant 0 : i32
      %dma_start3A_1313 = tpu.memref_slice %arg4[%add3A_1304, %dma_start3A_1312] : memref<819200x64xf32, #tpu.memory_space<hbm>> -> memref<128x64xf32, #tpu.memory_space<hbm>>
      %dma_start3A_1314 = arith.constant 0 : i32
      %dma_start3A_1315 = arith.constant 0 : i32
      %dma_start3A_1316 = tpu.memref_slice %arg6[%dma_start3A_1305, %dma_start3A_1314, %dma_start3A_1315] : memref<8x128x64xf32, #tpu.memory_space<vmem>> -> memref<1x128x64xf32, #tpu.memory_space<vmem>>
      %dma_start3A_1317 = tpu.memref_squeeze %dma_start3A_1316 : memref<1x128x64xf32, #tpu.memory_space<vmem>> -> memref<128x64xf32, #tpu.memory_space<vmem>>
      tpu.enqueue_dma source(%dma_start3A_1317 : memref<128x64xf32, #tpu.memory_space<vmem>>) target(%dma_start3A_1313 : memref<128x64xf32, #tpu.memory_space<hbm>>) target_semaphore(%arg22 : memref<!tpu.dma_semaphore, #tpu.memory_space<semaphore_mem>>)
    }
    %scan3A_460 = arith.constant 23 : i32
    %add3A_461 = arith.constant 24448 : i32
    %add3A_462 = arith.addi %mul3A_2, %add3A_461 : i32
    %dma_wait3A_463 = arith.constant 7 : i32
    %dma_wait3A_464 = arith.constant 0 : i32
    %dma_wait3A_465 = arith.constant 0 : i32
    %dma_wait3A_466 = tpu.memref_slice %arg6[%dma_wait3A_463, %dma_wait3A_464, %dma_wait3A_465] : memref<8x128x64xf32, #tpu.memory_space<vmem>> -> memref<1x128x64xf32, #tpu.memory_space<vmem>>
    %dma_wait3A_467 = tpu.memref_squeeze %dma_wait3A_466 : memref<1x128x64xf32, #tpu.memory_space<vmem>> -> memref<128x64xf32, #tpu.memory_space<vmem>>
    %dma_wait3A_468 = arith.constant 0 : i32
    %dma_wait3A_469 = tpu.memref_slice %arg4[%add3A_462, %dma_wait3A_468] : memref<819200x64xf32, #tpu.memory_space<hbm>> -> memref<128x64xf32, #tpu.memory_space<hbm>>
    %dma_wait3A_470 = arith.constant 0 : i32
    %dma_wait3A_471 = tpu.memref_slice %arg4[%add3A_462, %dma_wait3A_470] : memref<819200x64xf32, #tpu.memory_space<hbm>> -> memref<128x64xf32, #tpu.memory_space<hbm>>
    %dma_wait3A_472 = arith.constant 0 : i32
    %dma_wait3A_473 = arith.constant 0 : i32
    %dma_wait3A_474 = tpu.memref_slice %arg6[%dma_wait3A_463, %dma_wait3A_472, %dma_wait3A_473] : memref<8x128x64xf32, #tpu.memory_space<vmem>> -> memref<1x128x64xf32, #tpu.memory_space<vmem>>
    %dma_wait3A_475 = tpu.memref_squeeze %dma_wait3A_474 : memref<1x128x64xf32, #tpu.memory_space<vmem>> -> memref<128x64xf32, #tpu.memory_space<vmem>>
    tpu.wait_dma2 semaphore(%arg22 : memref<!tpu.dma_semaphore, #tpu.memory_space<semaphore_mem>>) src(%dma_wait3A_475 : memref<128x64xf32, #tpu.memory_space<vmem>>) dst(%dma_wait3A_471 : memref<128x64xf32, #tpu.memory_space<hbm>>)
    %dma_start3A_476 = arith.constant 7 : i32
    %dma_start3A_477 = arith.constant 0 : i32
    %dma_start3A_478 = arith.constant 0 : i32
    %dma_start3A_479 = tpu.memref_slice %arg6[%dma_start3A_476, %dma_start3A_477, %dma_start3A_478] : memref<8x128x64xf32, #tpu.memory_space<vmem>> -> memref<1x128x64xf32, #tpu.memory_space<vmem>>
    %dma_start3A_480 = tpu.memref_squeeze %dma_start3A_479 : memref<1x128x64xf32, #tpu.memory_space<vmem>> -> memref<128x64xf32, #tpu.memory_space<vmem>>
    %dma_start3A_481 = arith.constant 25472 : i32
    %dma_start3A_482 = tpu.memref_slice %arg5[%dma_start3A_481] : memref<25600xi32, #tpu.memory_space<vmem>> -> memref<128xi32, #tpu.memory_space<vmem>>
    %dma_start3A_483 = arith.constant 0 : i32
    %dma_start3A_484 = arith.constant 0 : i32
    %dma_start3A_485 = tpu.memref_slice %arg2[%dma_start3A_483, %dma_start3A_484] : memref<100000x64xf32, #tpu.memory_space<hbm>> -> memref<100000x64xf32, #tpu.memory_space<hbm>>
    tpu.enqueue_indirect_dma source(%dma_start3A_485 : memref<100000x64xf32, #tpu.memory_space<hbm>>) target(%dma_start3A_480 : memref<128x64xf32, #tpu.memory_space<vmem>>) offsets(%dma_start3A_482 : memref<128xi32, #tpu.memory_space<vmem>>) semaphore(%arg14 : memref<!tpu.dma_semaphore, #tpu.memory_space<semaphore_mem>>)
    %dma_wait3A_486 = arith.constant 0 : i32
    %dma_wait3A_487 = arith.constant 0 : i32
    %dma_wait3A_488 = arith.constant 0 : i32
    %dma_wait3A_489 = tpu.memref_slice %arg6[%dma_wait3A_486, %dma_wait3A_487, %dma_wait3A_488] : memref<8x128x64xf32, #tpu.memory_space<vmem>> -> memref<1x128x64xf32, #tpu.memory_space<vmem>>
    %dma_wait3A_490 = tpu.memref_squeeze %dma_wait3A_489 : memref<1x128x64xf32, #tpu.memory_space<vmem>> -> memref<128x64xf32, #tpu.memory_space<vmem>>
    %dma_wait3A_491 = arith.constant 24576 : i32
    %dma_wait3A_492 = tpu.memref_slice %arg5[%dma_wait3A_491] : memref<25600xi32, #tpu.memory_space<vmem>> -> memref<128xi32, #tpu.memory_space<vmem>>
    %dma_wait3A_493 = arith.constant 0 : i32
    %dma_wait3A_494 = arith.constant 0 : i32
    %dma_wait3A_495 = tpu.memref_slice %arg2[%dma_wait3A_493, %dma_wait3A_494] : memref<100000x64xf32, #tpu.memory_space<hbm>> -> memref<100000x64xf32, #tpu.memory_space<hbm>>
    tpu.wait_indirect_dma semaphore(%arg7 : memref<!tpu.dma_semaphore, #tpu.memory_space<semaphore_mem>>) src(%dma_wait3A_495 : memref<100000x64xf32, #tpu.memory_space<hbm>>) dst(%dma_wait3A_490 : memref<128x64xf32, #tpu.memory_space<vmem>>)
    %add3A_496 = arith.constant 24576 : i32
    %add3A_497 = arith.addi %mul3A_2, %add3A_496 : i32
    %dma_start3A_498 = arith.constant 0 : i32
    %dma_start3A_499 = arith.constant 0 : i32
    %dma_start3A_500 = arith.constant 0 : i32
    %dma_start3A_501 = tpu.memref_slice %arg6[%dma_start3A_498, %dma_start3A_499, %dma_start3A_500] : memref<8x128x64xf32, #tpu.memory_space<vmem>> -> memref<1x128x64xf32, #tpu.memory_space<vmem>>
    %dma_start3A_502 = tpu.memref_squeeze %dma_start3A_501 : memref<1x128x64xf32, #tpu.memory_space<vmem>> -> memref<128x64xf32, #tpu.memory_space<vmem>>
    %dma_start3A_503 = arith.constant 0 : i32
    %dma_start3A_504 = tpu.memref_slice %arg4[%add3A_497, %dma_start3A_503] : memref<819200x64xf32, #tpu.memory_space<hbm>> -> memref<128x64xf32, #tpu.memory_space<hbm>>
    %dma_start3A_505 = arith.constant 0 : i32
    %dma_start3A_506 = tpu.memref_slice %arg4[%add3A_497, %dma_start3A_505] : memref<819200x64xf32, #tpu.memory_space<hbm>> -> memref<128x64xf32, #tpu.memory_space<hbm>>
    %dma_start3A_507 = arith.constant 0 : i32
    %dma_start3A_508 = arith.constant 0 : i32
    %dma_start3A_509 = tpu.memref_slice %arg6[%dma_start3A_498, %dma_start3A_507, %dma_start3A_508] : memref<8x128x64xf32, #tpu.memory_space<vmem>> -> memref<1x128x64xf32, #tpu.memory_space<vmem>>
    %dma_start3A_510 = tpu.memref_squeeze %dma_start3A_509 : memref<1x128x64xf32, #tpu.memory_space<vmem>> -> memref<128x64xf32, #tpu.memory_space<vmem>>
    tpu.enqueue_dma source(%dma_start3A_510 : memref<128x64xf32, #tpu.memory_space<vmem>>) target(%dma_start3A_506 : memref<128x64xf32, #tpu.memory_space<hbm>>) target_semaphore(%arg15 : memref<!tpu.dma_semaphore, #tpu.memory_space<semaphore_mem>>)
    %add3A_511 = arith.constant 24576 : i32
    %add3A_512 = arith.addi %mul3A_2, %add3A_511 : i32
    %dma_wait3A_513 = arith.constant 0 : i32
    %dma_wait3A_514 = arith.constant 0 : i32
    %dma_wait3A_515 = arith.constant 0 : i32
    %dma_wait3A_516 = tpu.memref_slice %arg6[%dma_wait3A_513, %dma_wait3A_514, %dma_wait3A_515] : memref<8x128x64xf32, #tpu.memory_space<vmem>> -> memref<1x128x64xf32, #tpu.memory_space<vmem>>
    %dma_wait3A_517 = tpu.memref_squeeze %dma_wait3A_516 : memref<1x128x64xf32, #tpu.memory_space<vmem>> -> memref<128x64xf32, #tpu.memory_space<vmem>>
    %dma_wait3A_518 = arith.constant 0 : i32
    %dma_wait3A_519 = tpu.memref_slice %arg4[%add3A_512, %dma_wait3A_518] : memref<819200x64xf32, #tpu.memory_space<hbm>> -> memref<128x64xf32, #tpu.memory_space<hbm>>
    %dma_wait3A_520 = arith.constant 0 : i32
    %dma_wait3A_521 = tpu.memref_slice %arg4[%add3A_512, %dma_wait3A_520] : memref<819200x64xf32, #tpu.memory_space<hbm>> -> memref<128x64xf32, #tpu.memory_space<hbm>>
    %dma_wait3A_522 = arith.constant 0 : i32
    %dma_wait3A_523 = arith.constant 0 : i32
    %dma_wait3A_524 = tpu.memref_slice %arg6[%dma_wait3A_513, %dma_wait3A_522, %dma_wait3A_523] : memref<8x128x64xf32, #tpu.memory_space<vmem>> -> memref<1x128x64xf32, #tpu.memory_space<vmem>>
    %dma_wait3A_525 = tpu.memref_squeeze %dma_wait3A_524 : memref<1x128x64xf32, #tpu.memory_space<vmem>> -> memref<128x64xf32, #tpu.memory_space<vmem>>
    tpu.wait_dma2 semaphore(%arg15 : memref<!tpu.dma_semaphore, #tpu.memory_space<semaphore_mem>>) src(%dma_wait3A_525 : memref<128x64xf32, #tpu.memory_space<vmem>>) dst(%dma_wait3A_521 : memref<128x64xf32, #tpu.memory_space<hbm>>)
    %dma_wait3A_526 = arith.constant 1 : i32
    %dma_wait3A_527 = arith.constant 0 : i32
    %dma_wait3A_528 = arith.constant 0 : i32
    %dma_wait3A_529 = tpu.memref_slice %arg6[%dma_wait3A_526, %dma_wait3A_527, %dma_wait3A_528] : memref<8x128x64xf32, #tpu.memory_space<vmem>> -> memref<1x128x64xf32, #tpu.memory_space<vmem>>
    %dma_wait3A_530 = tpu.memref_squeeze %dma_wait3A_529 : memref<1x128x64xf32, #tpu.memory_space<vmem>> -> memref<128x64xf32, #tpu.memory_space<vmem>>
    %dma_wait3A_531 = arith.constant 24704 : i32
    %dma_wait3A_532 = tpu.memref_slice %arg5[%dma_wait3A_531] : memref<25600xi32, #tpu.memory_space<vmem>> -> memref<128xi32, #tpu.memory_space<vmem>>
    %dma_wait3A_533 = arith.constant 0 : i32
    %dma_wait3A_534 = arith.constant 0 : i32
    %dma_wait3A_535 = tpu.memref_slice %arg2[%dma_wait3A_533, %dma_wait3A_534] : memref<100000x64xf32, #tpu.memory_space<hbm>> -> memref<100000x64xf32, #tpu.memory_space<hbm>>
    tpu.wait_indirect_dma semaphore(%arg8 : memref<!tpu.dma_semaphore, #tpu.memory_space<semaphore_mem>>) src(%dma_wait3A_535 : memref<100000x64xf32, #tpu.memory_space<hbm>>) dst(%dma_wait3A_530 : memref<128x64xf32, #tpu.memory_space<vmem>>)
    %add3A_536 = arith.constant 24704 : i32
    %add3A_537 = arith.addi %mul3A_2, %add3A_536 : i32
    %dma_start3A_538 = arith.constant 1 : i32
    %dma_start3A_539 = arith.constant 0 : i32
    %dma_start3A_540 = arith.constant 0 : i32
    %dma_start3A_541 = tpu.memref_slice %arg6[%dma_start3A_538, %dma_start3A_539, %dma_start3A_540] : memref<8x128x64xf32, #tpu.memory_space<vmem>> -> memref<1x128x64xf32, #tpu.memory_space<vmem>>
    %dma_start3A_542 = tpu.memref_squeeze %dma_start3A_541 : memref<1x128x64xf32, #tpu.memory_space<vmem>> -> memref<128x64xf32, #tpu.memory_space<vmem>>
    %dma_start3A_543 = arith.constant 0 : i32
    %dma_start3A_544 = tpu.memref_slice %arg4[%add3A_537, %dma_start3A_543] : memref<819200x64xf32, #tpu.memory_space<hbm>> -> memref<128x64xf32, #tpu.memory_space<hbm>>
    %dma_start3A_545 = arith.constant 0 : i32
    %dma_start3A_546 = tpu.memref_slice %arg4[%add3A_537, %dma_start3A_545] : memref<819200x64xf32, #tpu.memory_space<hbm>> -> memref<128x64xf32, #tpu.memory_space<hbm>>
    %dma_start3A_547 = arith.constant 0 : i32
    %dma_start3A_548 = arith.constant 0 : i32
    %dma_start3A_549 = tpu.memref_slice %arg6[%dma_start3A_538, %dma_start3A_547, %dma_start3A_548] : memref<8x128x64xf32, #tpu.memory_space<vmem>> -> memref<1x128x64xf32, #tpu.memory_space<vmem>>
    %dma_start3A_550 = tpu.memref_squeeze %dma_start3A_549 : memref<1x128x64xf32, #tpu.memory_space<vmem>> -> memref<128x64xf32, #tpu.memory_space<vmem>>
    tpu.enqueue_dma source(%dma_start3A_550 : memref<128x64xf32, #tpu.memory_space<vmem>>) target(%dma_start3A_546 : memref<128x64xf32, #tpu.memory_space<hbm>>) target_semaphore(%arg16 : memref<!tpu.dma_semaphore, #tpu.memory_space<semaphore_mem>>)
    %add3A_551 = arith.constant 24704 : i32
    %add3A_552 = arith.addi %mul3A_2, %add3A_551 : i32
    %dma_wait3A_553 = arith.constant 1 : i32
    %dma_wait3A_554 = arith.constant 0 : i32
    %dma_wait3A_555 = arith.constant 0 : i32
    %dma_wait3A_556 = tpu.memref_slice %arg6[%dma_wait3A_553, %dma_wait3A_554, %dma_wait3A_555] : memref<8x128x64xf32, #tpu.memory_space<vmem>> -> memref<1x128x64xf32, #tpu.memory_space<vmem>>
    %dma_wait3A_557 = tpu.memref_squeeze %dma_wait3A_556 : memref<1x128x64xf32, #tpu.memory_space<vmem>> -> memref<128x64xf32, #tpu.memory_space<vmem>>
    %dma_wait3A_558 = arith.constant 0 : i32
    %dma_wait3A_559 = tpu.memref_slice %arg4[%add3A_552, %dma_wait3A_558] : memref<819200x64xf32, #tpu.memory_space<hbm>> -> memref<128x64xf32, #tpu.memory_space<hbm>>
    %dma_wait3A_560 = arith.constant 0 : i32
    %dma_wait3A_561 = tpu.memref_slice %arg4[%add3A_552, %dma_wait3A_560] : memref<819200x64xf32, #tpu.memory_space<hbm>> -> memref<128x64xf32, #tpu.memory_space<hbm>>
    %dma_wait3A_562 = arith.constant 0 : i32
    %dma_wait3A_563 = arith.constant 0 : i32
    %dma_wait3A_564 = tpu.memref_slice %arg6[%dma_wait3A_553, %dma_wait3A_562, %dma_wait3A_563] : memref<8x128x64xf32, #tpu.memory_space<vmem>> -> memref<1x128x64xf32, #tpu.memory_space<vmem>>
    %dma_wait3A_565 = tpu.memref_squeeze %dma_wait3A_564 : memref<1x128x64xf32, #tpu.memory_space<vmem>> -> memref<128x64xf32, #tpu.memory_space<vmem>>
    tpu.wait_dma2 semaphore(%arg16 : memref<!tpu.dma_semaphore, #tpu.memory_space<semaphore_mem>>) src(%dma_wait3A_565 : memref<128x64xf32, #tpu.memory_space<vmem>>) dst(%dma_wait3A_561 : memref<128x64xf32, #tpu.memory_space<hbm>>)
    %dma_wait3A_566 = arith.constant 2 : i32
    %dma_wait3A_567 = arith.constant 0 : i32
    %dma_wait3A_568 = arith.constant 0 : i32
    %dma_wait3A_569 = tpu.memref_slice %arg6[%dma_wait3A_566, %dma_wait3A_567, %dma_wait3A_568] : memref<8x128x64xf32, #tpu.memory_space<vmem>> -> memref<1x128x64xf32, #tpu.memory_space<vmem>>
    %dma_wait3A_570 = tpu.memref_squeeze %dma_wait3A_569 : memref<1x128x64xf32, #tpu.memory_space<vmem>> -> memref<128x64xf32, #tpu.memory_space<vmem>>
    %dma_wait3A_571 = arith.constant 24832 : i32
    %dma_wait3A_572 = tpu.memref_slice %arg5[%dma_wait3A_571] : memref<25600xi32, #tpu.memory_space<vmem>> -> memref<128xi32, #tpu.memory_space<vmem>>
    %dma_wait3A_573 = arith.constant 0 : i32
    %dma_wait3A_574 = arith.constant 0 : i32
    %dma_wait3A_575 = tpu.memref_slice %arg2[%dma_wait3A_573, %dma_wait3A_574] : memref<100000x64xf32, #tpu.memory_space<hbm>> -> memref<100000x64xf32, #tpu.memory_space<hbm>>
    tpu.wait_indirect_dma semaphore(%arg9 : memref<!tpu.dma_semaphore, #tpu.memory_space<semaphore_mem>>) src(%dma_wait3A_575 : memref<100000x64xf32, #tpu.memory_space<hbm>>) dst(%dma_wait3A_570 : memref<128x64xf32, #tpu.memory_space<vmem>>)
    %add3A_576 = arith.constant 24832 : i32
    %add3A_577 = arith.addi %mul3A_2, %add3A_576 : i32
    %dma_start3A_578 = arith.constant 2 : i32
    %dma_start3A_579 = arith.constant 0 : i32
    %dma_start3A_580 = arith.constant 0 : i32
    %dma_start3A_581 = tpu.memref_slice %arg6[%dma_start3A_578, %dma_start3A_579, %dma_start3A_580] : memref<8x128x64xf32, #tpu.memory_space<vmem>> -> memref<1x128x64xf32, #tpu.memory_space<vmem>>
    %dma_start3A_582 = tpu.memref_squeeze %dma_start3A_581 : memref<1x128x64xf32, #tpu.memory_space<vmem>> -> memref<128x64xf32, #tpu.memory_space<vmem>>
    %dma_start3A_583 = arith.constant 0 : i32
    %dma_start3A_584 = tpu.memref_slice %arg4[%add3A_577, %dma_start3A_583] : memref<819200x64xf32, #tpu.memory_space<hbm>> -> memref<128x64xf32, #tpu.memory_space<hbm>>
    %dma_start3A_585 = arith.constant 0 : i32
    %dma_start3A_586 = tpu.memref_slice %arg4[%add3A_577, %dma_start3A_585] : memref<819200x64xf32, #tpu.memory_space<hbm>> -> memref<128x64xf32, #tpu.memory_space<hbm>>
    %dma_start3A_587 = arith.constant 0 : i32
    %dma_start3A_588 = arith.constant 0 : i32
    %dma_start3A_589 = tpu.memref_slice %arg6[%dma_start3A_578, %dma_start3A_587, %dma_start3A_588] : memref<8x128x64xf32, #tpu.memory_space<vmem>> -> memref<1x128x64xf32, #tpu.memory_space<vmem>>
    %dma_start3A_590 = tpu.memref_squeeze %dma_start3A_589 : memref<1x128x64xf32, #tpu.memory_space<vmem>> -> memref<128x64xf32, #tpu.memory_space<vmem>>
    tpu.enqueue_dma source(%dma_start3A_590 : memref<128x64xf32, #tpu.memory_space<vmem>>) target(%dma_start3A_586 : memref<128x64xf32, #tpu.memory_space<hbm>>) target_semaphore(%arg17 : memref<!tpu.dma_semaphore, #tpu.memory_space<semaphore_mem>>)
    %add3A_591 = arith.constant 24832 : i32
    %add3A_592 = arith.addi %mul3A_2, %add3A_591 : i32
    %dma_wait3A_593 = arith.constant 2 : i32
    %dma_wait3A_594 = arith.constant 0 : i32
    %dma_wait3A_595 = arith.constant 0 : i32
    %dma_wait3A_596 = tpu.memref_slice %arg6[%dma_wait3A_593, %dma_wait3A_594, %dma_wait3A_595] : memref<8x128x64xf32, #tpu.memory_space<vmem>> -> memref<1x128x64xf32, #tpu.memory_space<vmem>>
    %dma_wait3A_597 = tpu.memref_squeeze %dma_wait3A_596 : memref<1x128x64xf32, #tpu.memory_space<vmem>> -> memref<128x64xf32, #tpu.memory_space<vmem>>
    %dma_wait3A_598 = arith.constant 0 : i32
    %dma_wait3A_599 = tpu.memref_slice %arg4[%add3A_592, %dma_wait3A_598] : memref<819200x64xf32, #tpu.memory_space<hbm>> -> memref<128x64xf32, #tpu.memory_space<hbm>>
    %dma_wait3A_600 = arith.constant 0 : i32
    %dma_wait3A_601 = tpu.memref_slice %arg4[%add3A_592, %dma_wait3A_600] : memref<819200x64xf32, #tpu.memory_space<hbm>> -> memref<128x64xf32, #tpu.memory_space<hbm>>
    %dma_wait3A_602 = arith.constant 0 : i32
    %dma_wait3A_603 = arith.constant 0 : i32
    %dma_wait3A_604 = tpu.memref_slice %arg6[%dma_wait3A_593, %dma_wait3A_602, %dma_wait3A_603] : memref<8x128x64xf32, #tpu.memory_space<vmem>> -> memref<1x128x64xf32, #tpu.memory_space<vmem>>
    %dma_wait3A_605 = tpu.memref_squeeze %dma_wait3A_604 : memref<1x128x64xf32, #tpu.memory_space<vmem>> -> memref<128x64xf32, #tpu.memory_space<vmem>>
    tpu.wait_dma2 semaphore(%arg17 : memref<!tpu.dma_semaphore, #tpu.memory_space<semaphore_mem>>) src(%dma_wait3A_605 : memref<128x64xf32, #tpu.memory_space<vmem>>) dst(%dma_wait3A_601 : memref<128x64xf32, #tpu.memory_space<hbm>>)
    %dma_wait3A_606 = arith.constant 3 : i32
    %dma_wait3A_607 = arith.constant 0 : i32
    %dma_wait3A_608 = arith.constant 0 : i32
    %dma_wait3A_609 = tpu.memref_slice %arg6[%dma_wait3A_606, %dma_wait3A_607, %dma_wait3A_608] : memref<8x128x64xf32, #tpu.memory_space<vmem>> -> memref<1x128x64xf32, #tpu.memory_space<vmem>>
    %dma_wait3A_610 = tpu.memref_squeeze %dma_wait3A_609 : memref<1x128x64xf32, #tpu.memory_space<vmem>> -> memref<128x64xf32, #tpu.memory_space<vmem>>
    %dma_wait3A_611 = arith.constant 24960 : i32
    %dma_wait3A_612 = tpu.memref_slice %arg5[%dma_wait3A_611] : memref<25600xi32, #tpu.memory_space<vmem>> -> memref<128xi32, #tpu.memory_space<vmem>>
    %dma_wait3A_613 = arith.constant 0 : i32
    %dma_wait3A_614 = arith.constant 0 : i32
    %dma_wait3A_615 = tpu.memref_slice %arg2[%dma_wait3A_613, %dma_wait3A_614] : memref<100000x64xf32, #tpu.memory_space<hbm>> -> memref<100000x64xf32, #tpu.memory_space<hbm>>
    tpu.wait_indirect_dma semaphore(%arg10 : memref<!tpu.dma_semaphore, #tpu.memory_space<semaphore_mem>>) src(%dma_wait3A_615 : memref<100000x64xf32, #tpu.memory_space<hbm>>) dst(%dma_wait3A_610 : memref<128x64xf32, #tpu.memory_space<vmem>>)
    %add3A_616 = arith.constant 24960 : i32
    %add3A_617 = arith.addi %mul3A_2, %add3A_616 : i32
    %dma_start3A_618 = arith.constant 3 : i32
    %dma_start3A_619 = arith.constant 0 : i32
    %dma_start3A_620 = arith.constant 0 : i32
    %dma_start3A_621 = tpu.memref_slice %arg6[%dma_start3A_618, %dma_start3A_619, %dma_start3A_620] : memref<8x128x64xf32, #tpu.memory_space<vmem>> -> memref<1x128x64xf32, #tpu.memory_space<vmem>>
    %dma_start3A_622 = tpu.memref_squeeze %dma_start3A_621 : memref<1x128x64xf32, #tpu.memory_space<vmem>> -> memref<128x64xf32, #tpu.memory_space<vmem>>
    %dma_start3A_623 = arith.constant 0 : i32
    %dma_start3A_624 = tpu.memref_slice %arg4[%add3A_617, %dma_start3A_623] : memref<819200x64xf32, #tpu.memory_space<hbm>> -> memref<128x64xf32, #tpu.memory_space<hbm>>
    %dma_start3A_625 = arith.constant 0 : i32
    %dma_start3A_626 = tpu.memref_slice %arg4[%add3A_617, %dma_start3A_625] : memref<819200x64xf32, #tpu.memory_space<hbm>> -> memref<128x64xf32, #tpu.memory_space<hbm>>
    %dma_start3A_627 = arith.constant 0 : i32
    %dma_start3A_628 = arith.constant 0 : i32
    %dma_start3A_629 = tpu.memref_slice %arg6[%dma_start3A_618, %dma_start3A_627, %dma_start3A_628] : memref<8x128x64xf32, #tpu.memory_space<vmem>> -> memref<1x128x64xf32, #tpu.memory_space<vmem>>
    %dma_start3A_630 = tpu.memref_squeeze %dma_start3A_629 : memref<1x128x64xf32, #tpu.memory_space<vmem>> -> memref<128x64xf32, #tpu.memory_space<vmem>>
    tpu.enqueue_dma source(%dma_start3A_630 : memref<128x64xf32, #tpu.memory_space<vmem>>) target(%dma_start3A_626 : memref<128x64xf32, #tpu.memory_space<hbm>>) target_semaphore(%arg18 : memref<!tpu.dma_semaphore, #tpu.memory_space<semaphore_mem>>)
    %add3A_631 = arith.constant 24960 : i32
    %add3A_632 = arith.addi %mul3A_2, %add3A_631 : i32
    %dma_wait3A_633 = arith.constant 3 : i32
    %dma_wait3A_634 = arith.constant 0 : i32
    %dma_wait3A_635 = arith.constant 0 : i32
    %dma_wait3A_636 = tpu.memref_slice %arg6[%dma_wait3A_633, %dma_wait3A_634, %dma_wait3A_635] : memref<8x128x64xf32, #tpu.memory_space<vmem>> -> memref<1x128x64xf32, #tpu.memory_space<vmem>>
    %dma_wait3A_637 = tpu.memref_squeeze %dma_wait3A_636 : memref<1x128x64xf32, #tpu.memory_space<vmem>> -> memref<128x64xf32, #tpu.memory_space<vmem>>
    %dma_wait3A_638 = arith.constant 0 : i32
    %dma_wait3A_639 = tpu.memref_slice %arg4[%add3A_632, %dma_wait3A_638] : memref<819200x64xf32, #tpu.memory_space<hbm>> -> memref<128x64xf32, #tpu.memory_space<hbm>>
    %dma_wait3A_640 = arith.constant 0 : i32
    %dma_wait3A_641 = tpu.memref_slice %arg4[%add3A_632, %dma_wait3A_640] : memref<819200x64xf32, #tpu.memory_space<hbm>> -> memref<128x64xf32, #tpu.memory_space<hbm>>
    %dma_wait3A_642 = arith.constant 0 : i32
    %dma_wait3A_643 = arith.constant 0 : i32
    %dma_wait3A_644 = tpu.memref_slice %arg6[%dma_wait3A_633, %dma_wait3A_642, %dma_wait3A_643] : memref<8x128x64xf32, #tpu.memory_space<vmem>> -> memref<1x128x64xf32, #tpu.memory_space<vmem>>
    %dma_wait3A_645 = tpu.memref_squeeze %dma_wait3A_644 : memref<1x128x64xf32, #tpu.memory_space<vmem>> -> memref<128x64xf32, #tpu.memory_space<vmem>>
    tpu.wait_dma2 semaphore(%arg18 : memref<!tpu.dma_semaphore, #tpu.memory_space<semaphore_mem>>) src(%dma_wait3A_645 : memref<128x64xf32, #tpu.memory_space<vmem>>) dst(%dma_wait3A_641 : memref<128x64xf32, #tpu.memory_space<hbm>>)
    %dma_wait3A_646 = arith.constant 4 : i32
    %dma_wait3A_647 = arith.constant 0 : i32
    %dma_wait3A_648 = arith.constant 0 : i32
    %dma_wait3A_649 = tpu.memref_slice %arg6[%dma_wait3A_646, %dma_wait3A_647, %dma_wait3A_648] : memref<8x128x64xf32, #tpu.memory_space<vmem>> -> memref<1x128x64xf32, #tpu.memory_space<vmem>>
    %dma_wait3A_650 = tpu.memref_squeeze %dma_wait3A_649 : memref<1x128x64xf32, #tpu.memory_space<vmem>> -> memref<128x64xf32, #tpu.memory_space<vmem>>
    %dma_wait3A_651 = arith.constant 25088 : i32
    %dma_wait3A_652 = tpu.memref_slice %arg5[%dma_wait3A_651] : memref<25600xi32, #tpu.memory_space<vmem>> -> memref<128xi32, #tpu.memory_space<vmem>>
    %dma_wait3A_653 = arith.constant 0 : i32
    %dma_wait3A_654 = arith.constant 0 : i32
    %dma_wait3A_655 = tpu.memref_slice %arg2[%dma_wait3A_653, %dma_wait3A_654] : memref<100000x64xf32, #tpu.memory_space<hbm>> -> memref<100000x64xf32, #tpu.memory_space<hbm>>
    tpu.wait_indirect_dma semaphore(%arg11 : memref<!tpu.dma_semaphore, #tpu.memory_space<semaphore_mem>>) src(%dma_wait3A_655 : memref<100000x64xf32, #tpu.memory_space<hbm>>) dst(%dma_wait3A_650 : memref<128x64xf32, #tpu.memory_space<vmem>>)
    %add3A_656 = arith.constant 25088 : i32
    %add3A_657 = arith.addi %mul3A_2, %add3A_656 : i32
    %dma_start3A_658 = arith.constant 4 : i32
    %dma_start3A_659 = arith.constant 0 : i32
    %dma_start3A_660 = arith.constant 0 : i32
    %dma_start3A_661 = tpu.memref_slice %arg6[%dma_start3A_658, %dma_start3A_659, %dma_start3A_660] : memref<8x128x64xf32, #tpu.memory_space<vmem>> -> memref<1x128x64xf32, #tpu.memory_space<vmem>>
    %dma_start3A_662 = tpu.memref_squeeze %dma_start3A_661 : memref<1x128x64xf32, #tpu.memory_space<vmem>> -> memref<128x64xf32, #tpu.memory_space<vmem>>
    %dma_start3A_663 = arith.constant 0 : i32
    %dma_start3A_664 = tpu.memref_slice %arg4[%add3A_657, %dma_start3A_663] : memref<819200x64xf32, #tpu.memory_space<hbm>> -> memref<128x64xf32, #tpu.memory_space<hbm>>
    %dma_start3A_665 = arith.constant 0 : i32
    %dma_start3A_666 = tpu.memref_slice %arg4[%add3A_657, %dma_start3A_665] : memref<819200x64xf32, #tpu.memory_space<hbm>> -> memref<128x64xf32, #tpu.memory_space<hbm>>
    %dma_start3A_667 = arith.constant 0 : i32
    %dma_start3A_668 = arith.constant 0 : i32
    %dma_start3A_669 = tpu.memref_slice %arg6[%dma_start3A_658, %dma_start3A_667, %dma_start3A_668] : memref<8x128x64xf32, #tpu.memory_space<vmem>> -> memref<1x128x64xf32, #tpu.memory_space<vmem>>
    %dma_start3A_670 = tpu.memref_squeeze %dma_start3A_669 : memref<1x128x64xf32, #tpu.memory_space<vmem>> -> memref<128x64xf32, #tpu.memory_space<vmem>>
    tpu.enqueue_dma source(%dma_start3A_670 : memref<128x64xf32, #tpu.memory_space<vmem>>) target(%dma_start3A_666 : memref<128x64xf32, #tpu.memory_space<hbm>>) target_semaphore(%arg19 : memref<!tpu.dma_semaphore, #tpu.memory_space<semaphore_mem>>)
    %add3A_671 = arith.constant 25088 : i32
    %add3A_672 = arith.addi %mul3A_2, %add3A_671 : i32
    %dma_wait3A_673 = arith.constant 4 : i32
    %dma_wait3A_674 = arith.constant 0 : i32
    %dma_wait3A_675 = arith.constant 0 : i32
    %dma_wait3A_676 = tpu.memref_slice %arg6[%dma_wait3A_673, %dma_wait3A_674, %dma_wait3A_675] : memref<8x128x64xf32, #tpu.memory_space<vmem>> -> memref<1x128x64xf32, #tpu.memory_space<vmem>>
    %dma_wait3A_677 = tpu.memref_squeeze %dma_wait3A_676 : memref<1x128x64xf32, #tpu.memory_space<vmem>> -> memref<128x64xf32, #tpu.memory_space<vmem>>
    %dma_wait3A_678 = arith.constant 0 : i32
    %dma_wait3A_679 = tpu.memref_slice %arg4[%add3A_672, %dma_wait3A_678] : memref<819200x64xf32, #tpu.memory_space<hbm>> -> memref<128x64xf32, #tpu.memory_space<hbm>>
    %dma_wait3A_680 = arith.constant 0 : i32
    %dma_wait3A_681 = tpu.memref_slice %arg4[%add3A_672, %dma_wait3A_680] : memref<819200x64xf32, #tpu.memory_space<hbm>> -> memref<128x64xf32, #tpu.memory_space<hbm>>
    %dma_wait3A_682 = arith.constant 0 : i32
    %dma_wait3A_683 = arith.constant 0 : i32
    %dma_wait3A_684 = tpu.memref_slice %arg6[%dma_wait3A_673, %dma_wait3A_682, %dma_wait3A_683] : memref<8x128x64xf32, #tpu.memory_space<vmem>> -> memref<1x128x64xf32, #tpu.memory_space<vmem>>
    %dma_wait3A_685 = tpu.memref_squeeze %dma_wait3A_684 : memref<1x128x64xf32, #tpu.memory_space<vmem>> -> memref<128x64xf32, #tpu.memory_space<vmem>>
    tpu.wait_dma2 semaphore(%arg19 : memref<!tpu.dma_semaphore, #tpu.memory_space<semaphore_mem>>) src(%dma_wait3A_685 : memref<128x64xf32, #tpu.memory_space<vmem>>) dst(%dma_wait3A_681 : memref<128x64xf32, #tpu.memory_space<hbm>>)
    %dma_wait3A_686 = arith.constant 5 : i32
    %dma_wait3A_687 = arith.constant 0 : i32
    %dma_wait3A_688 = arith.constant 0 : i32
    %dma_wait3A_689 = tpu.memref_slice %arg6[%dma_wait3A_686, %dma_wait3A_687, %dma_wait3A_688] : memref<8x128x64xf32, #tpu.memory_space<vmem>> -> memref<1x128x64xf32, #tpu.memory_space<vmem>>
    %dma_wait3A_690 = tpu.memref_squeeze %dma_wait3A_689 : memref<1x128x64xf32, #tpu.memory_space<vmem>> -> memref<128x64xf32, #tpu.memory_space<vmem>>
    %dma_wait3A_691 = arith.constant 25216 : i32
    %dma_wait3A_692 = tpu.memref_slice %arg5[%dma_wait3A_691] : memref<25600xi32, #tpu.memory_space<vmem>> -> memref<128xi32, #tpu.memory_space<vmem>>
    %dma_wait3A_693 = arith.constant 0 : i32
    %dma_wait3A_694 = arith.constant 0 : i32
    %dma_wait3A_695 = tpu.memref_slice %arg2[%dma_wait3A_693, %dma_wait3A_694] : memref<100000x64xf32, #tpu.memory_space<hbm>> -> memref<100000x64xf32, #tpu.memory_space<hbm>>
    tpu.wait_indirect_dma semaphore(%arg12 : memref<!tpu.dma_semaphore, #tpu.memory_space<semaphore_mem>>) src(%dma_wait3A_695 : memref<100000x64xf32, #tpu.memory_space<hbm>>) dst(%dma_wait3A_690 : memref<128x64xf32, #tpu.memory_space<vmem>>)
    %add3A_696 = arith.constant 25216 : i32
    %add3A_697 = arith.addi %mul3A_2, %add3A_696 : i32
    %dma_start3A_698 = arith.constant 5 : i32
    %dma_start3A_699 = arith.constant 0 : i32
    %dma_start3A_700 = arith.constant 0 : i32
    %dma_start3A_701 = tpu.memref_slice %arg6[%dma_start3A_698, %dma_start3A_699, %dma_start3A_700] : memref<8x128x64xf32, #tpu.memory_space<vmem>> -> memref<1x128x64xf32, #tpu.memory_space<vmem>>
    %dma_start3A_702 = tpu.memref_squeeze %dma_start3A_701 : memref<1x128x64xf32, #tpu.memory_space<vmem>> -> memref<128x64xf32, #tpu.memory_space<vmem>>
    %dma_start3A_703 = arith.constant 0 : i32
    %dma_start3A_704 = tpu.memref_slice %arg4[%add3A_697, %dma_start3A_703] : memref<819200x64xf32, #tpu.memory_space<hbm>> -> memref<128x64xf32, #tpu.memory_space<hbm>>
    %dma_start3A_705 = arith.constant 0 : i32
    %dma_start3A_706 = tpu.memref_slice %arg4[%add3A_697, %dma_start3A_705] : memref<819200x64xf32, #tpu.memory_space<hbm>> -> memref<128x64xf32, #tpu.memory_space<hbm>>
    %dma_start3A_707 = arith.constant 0 : i32
    %dma_start3A_708 = arith.constant 0 : i32
    %dma_start3A_709 = tpu.memref_slice %arg6[%dma_start3A_698, %dma_start3A_707, %dma_start3A_708] : memref<8x128x64xf32, #tpu.memory_space<vmem>> -> memref<1x128x64xf32, #tpu.memory_space<vmem>>
    %dma_start3A_710 = tpu.memref_squeeze %dma_start3A_709 : memref<1x128x64xf32, #tpu.memory_space<vmem>> -> memref<128x64xf32, #tpu.memory_space<vmem>>
    tpu.enqueue_dma source(%dma_start3A_710 : memref<128x64xf32, #tpu.memory_space<vmem>>) target(%dma_start3A_706 : memref<128x64xf32, #tpu.memory_space<hbm>>) target_semaphore(%arg20 : memref<!tpu.dma_semaphore, #tpu.memory_space<semaphore_mem>>)
    %add3A_711 = arith.constant 25216 : i32
    %add3A_712 = arith.addi %mul3A_2, %add3A_711 : i32
    %dma_wait3A_713 = arith.constant 5 : i32
    %dma_wait3A_714 = arith.constant 0 : i32
    %dma_wait3A_715 = arith.constant 0 : i32
    %dma_wait3A_716 = tpu.memref_slice %arg6[%dma_wait3A_713, %dma_wait3A_714, %dma_wait3A_715] : memref<8x128x64xf32, #tpu.memory_space<vmem>> -> memref<1x128x64xf32, #tpu.memory_space<vmem>>
    %dma_wait3A_717 = tpu.memref_squeeze %dma_wait3A_716 : memref<1x128x64xf32, #tpu.memory_space<vmem>> -> memref<128x64xf32, #tpu.memory_space<vmem>>
    %dma_wait3A_718 = arith.constant 0 : i32
    %dma_wait3A_719 = tpu.memref_slice %arg4[%add3A_712, %dma_wait3A_718] : memref<819200x64xf32, #tpu.memory_space<hbm>> -> memref<128x64xf32, #tpu.memory_space<hbm>>
    %dma_wait3A_720 = arith.constant 0 : i32
    %dma_wait3A_721 = tpu.memref_slice %arg4[%add3A_712, %dma_wait3A_720] : memref<819200x64xf32, #tpu.memory_space<hbm>> -> memref<128x64xf32, #tpu.memory_space<hbm>>
    %dma_wait3A_722 = arith.constant 0 : i32
    %dma_wait3A_723 = arith.constant 0 : i32
    %dma_wait3A_724 = tpu.memref_slice %arg6[%dma_wait3A_713, %dma_wait3A_722, %dma_wait3A_723] : memref<8x128x64xf32, #tpu.memory_space<vmem>> -> memref<1x128x64xf32, #tpu.memory_space<vmem>>
    %dma_wait3A_725 = tpu.memref_squeeze %dma_wait3A_724 : memref<1x128x64xf32, #tpu.memory_space<vmem>> -> memref<128x64xf32, #tpu.memory_space<vmem>>
    tpu.wait_dma2 semaphore(%arg20 : memref<!tpu.dma_semaphore, #tpu.memory_space<semaphore_mem>>) src(%dma_wait3A_725 : memref<128x64xf32, #tpu.memory_space<vmem>>) dst(%dma_wait3A_721 : memref<128x64xf32, #tpu.memory_space<hbm>>)
    %dma_wait3A_726 = arith.constant 6 : i32
    %dma_wait3A_727 = arith.constant 0 : i32
    %dma_wait3A_728 = arith.constant 0 : i32
    %dma_wait3A_729 = tpu.memref_slice %arg6[%dma_wait3A_726, %dma_wait3A_727, %dma_wait3A_728] : memref<8x128x64xf32, #tpu.memory_space<vmem>> -> memref<1x128x64xf32, #tpu.memory_space<vmem>>
    %dma_wait3A_730 = tpu.memref_squeeze %dma_wait3A_729 : memref<1x128x64xf32, #tpu.memory_space<vmem>> -> memref<128x64xf32, #tpu.memory_space<vmem>>
    %dma_wait3A_731 = arith.constant 25344 : i32
    %dma_wait3A_732 = tpu.memref_slice %arg5[%dma_wait3A_731] : memref<25600xi32, #tpu.memory_space<vmem>> -> memref<128xi32, #tpu.memory_space<vmem>>
    %dma_wait3A_733 = arith.constant 0 : i32
    %dma_wait3A_734 = arith.constant 0 : i32
    %dma_wait3A_735 = tpu.memref_slice %arg2[%dma_wait3A_733, %dma_wait3A_734] : memref<100000x64xf32, #tpu.memory_space<hbm>> -> memref<100000x64xf32, #tpu.memory_space<hbm>>
    tpu.wait_indirect_dma semaphore(%arg13 : memref<!tpu.dma_semaphore, #tpu.memory_space<semaphore_mem>>) src(%dma_wait3A_735 : memref<100000x64xf32, #tpu.memory_space<hbm>>) dst(%dma_wait3A_730 : memref<128x64xf32, #tpu.memory_space<vmem>>)
    %add3A_736 = arith.constant 25344 : i32
    %add3A_737 = arith.addi %mul3A_2, %add3A_736 : i32
    %dma_start3A_738 = arith.constant 6 : i32
    %dma_start3A_739 = arith.constant 0 : i32
    %dma_start3A_740 = arith.constant 0 : i32
    %dma_start3A_741 = tpu.memref_slice %arg6[%dma_start3A_738, %dma_start3A_739, %dma_start3A_740] : memref<8x128x64xf32, #tpu.memory_space<vmem>> -> memref<1x128x64xf32, #tpu.memory_space<vmem>>
    %dma_start3A_742 = tpu.memref_squeeze %dma_start3A_741 : memref<1x128x64xf32, #tpu.memory_space<vmem>> -> memref<128x64xf32, #tpu.memory_space<vmem>>
    %dma_start3A_743 = arith.constant 0 : i32
    %dma_start3A_744 = tpu.memref_slice %arg4[%add3A_737, %dma_start3A_743] : memref<819200x64xf32, #tpu.memory_space<hbm>> -> memref<128x64xf32, #tpu.memory_space<hbm>>
    %dma_start3A_745 = arith.constant 0 : i32
    %dma_start3A_746 = tpu.memref_slice %arg4[%add3A_737, %dma_start3A_745] : memref<819200x64xf32, #tpu.memory_space<hbm>> -> memref<128x64xf32, #tpu.memory_space<hbm>>
    %dma_start3A_747 = arith.constant 0 : i32
    %dma_start3A_748 = arith.constant 0 : i32
    %dma_start3A_749 = tpu.memref_slice %arg6[%dma_start3A_738, %dma_start3A_747, %dma_start3A_748] : memref<8x128x64xf32, #tpu.memory_space<vmem>> -> memref<1x128x64xf32, #tpu.memory_space<vmem>>
    %dma_start3A_750 = tpu.memref_squeeze %dma_start3A_749 : memref<1x128x64xf32, #tpu.memory_space<vmem>> -> memref<128x64xf32, #tpu.memory_space<vmem>>
    tpu.enqueue_dma source(%dma_start3A_750 : memref<128x64xf32, #tpu.memory_space<vmem>>) target(%dma_start3A_746 : memref<128x64xf32, #tpu.memory_space<hbm>>) target_semaphore(%arg21 : memref<!tpu.dma_semaphore, #tpu.memory_space<semaphore_mem>>)
    %add3A_751 = arith.constant 25344 : i32
    %add3A_752 = arith.addi %mul3A_2, %add3A_751 : i32
    %dma_wait3A_753 = arith.constant 6 : i32
    %dma_wait3A_754 = arith.constant 0 : i32
    %dma_wait3A_755 = arith.constant 0 : i32
    %dma_wait3A_756 = tpu.memref_slice %arg6[%dma_wait3A_753, %dma_wait3A_754, %dma_wait3A_755] : memref<8x128x64xf32, #tpu.memory_space<vmem>> -> memref<1x128x64xf32, #tpu.memory_space<vmem>>
    %dma_wait3A_757 = tpu.memref_squeeze %dma_wait3A_756 : memref<1x128x64xf32, #tpu.memory_space<vmem>> -> memref<128x64xf32, #tpu.memory_space<vmem>>
    %dma_wait3A_758 = arith.constant 0 : i32
    %dma_wait3A_759 = tpu.memref_slice %arg4[%add3A_752, %dma_wait3A_758] : memref<819200x64xf32, #tpu.memory_space<hbm>> -> memref<128x64xf32, #tpu.memory_space<hbm>>
    %dma_wait3A_760 = arith.constant 0 : i32
    %dma_wait3A_761 = tpu.memref_slice %arg4[%add3A_752, %dma_wait3A_760] : memref<819200x64xf32, #tpu.memory_space<hbm>> -> memref<128x64xf32, #tpu.memory_space<hbm>>
    %dma_wait3A_762 = arith.constant 0 : i32
    %dma_wait3A_763 = arith.constant 0 : i32
    %dma_wait3A_764 = tpu.memref_slice %arg6[%dma_wait3A_753, %dma_wait3A_762, %dma_wait3A_763] : memref<8x128x64xf32, #tpu.memory_space<vmem>> -> memref<1x128x64xf32, #tpu.memory_space<vmem>>
    %dma_wait3A_765 = tpu.memref_squeeze %dma_wait3A_764 : memref<1x128x64xf32, #tpu.memory_space<vmem>> -> memref<128x64xf32, #tpu.memory_space<vmem>>
    tpu.wait_dma2 semaphore(%arg21 : memref<!tpu.dma_semaphore, #tpu.memory_space<semaphore_mem>>) src(%dma_wait3A_765 : memref<128x64xf32, #tpu.memory_space<vmem>>) dst(%dma_wait3A_761 : memref<128x64xf32, #tpu.memory_space<hbm>>)
    %dma_wait3A_766 = arith.constant 7 : i32
    %dma_wait3A_767 = arith.constant 0 : i32
    %dma_wait3A_768 = arith.constant 0 : i32
    %dma_wait3A_769 = tpu.memref_slice %arg6[%dma_wait3A_766, %dma_wait3A_767, %dma_wait3A_768] : memref<8x128x64xf32, #tpu.memory_space<vmem>> -> memref<1x128x64xf32, #tpu.memory_space<vmem>>
    %dma_wait3A_770 = tpu.memref_squeeze %dma_wait3A_769 : memref<1x128x64xf32, #tpu.memory_space<vmem>> -> memref<128x64xf32, #tpu.memory_space<vmem>>
    %dma_wait3A_771 = arith.constant 25472 : i32
    %dma_wait3A_772 = tpu.memref_slice %arg5[%dma_wait3A_771] : memref<25600xi32, #tpu.memory_space<vmem>> -> memref<128xi32, #tpu.memory_space<vmem>>
    %dma_wait3A_773 = arith.constant 0 : i32
    %dma_wait3A_774 = arith.constant 0 : i32
    %dma_wait3A_775 = tpu.memref_slice %arg2[%dma_wait3A_773, %dma_wait3A_774] : memref<100000x64xf32, #tpu.memory_space<hbm>> -> memref<100000x64xf32, #tpu.memory_space<hbm>>
    tpu.wait_indirect_dma semaphore(%arg14 : memref<!tpu.dma_semaphore, #tpu.memory_space<semaphore_mem>>) src(%dma_wait3A_775 : memref<100000x64xf32, #tpu.memory_space<hbm>>) dst(%dma_wait3A_770 : memref<128x64xf32, #tpu.memory_space<vmem>>)
    %add3A_776 = arith.constant 25472 : i32
    %add3A_777 = arith.addi %mul3A_2, %add3A_776 : i32
    %dma_start3A_778 = arith.constant 7 : i32
    %dma_start3A_779 = arith.constant 0 : i32
    %dma_start3A_780 = arith.constant 0 : i32
    %dma_start3A_781 = tpu.memref_slice %arg6[%dma_start3A_778, %dma_start3A_779, %dma_start3A_780] : memref<8x128x64xf32, #tpu.memory_space<vmem>> -> memref<1x128x64xf32, #tpu.memory_space<vmem>>
    %dma_start3A_782 = tpu.memref_squeeze %dma_start3A_781 : memref<1x128x64xf32, #tpu.memory_space<vmem>> -> memref<128x64xf32, #tpu.memory_space<vmem>>
    %dma_start3A_783 = arith.constant 0 : i32
    %dma_start3A_784 = tpu.memref_slice %arg4[%add3A_777, %dma_start3A_783] : memref<819200x64xf32, #tpu.memory_space<hbm>> -> memref<128x64xf32, #tpu.memory_space<hbm>>
    %dma_start3A_785 = arith.constant 0 : i32
    %dma_start3A_786 = tpu.memref_slice %arg4[%add3A_777, %dma_start3A_785] : memref<819200x64xf32, #tpu.memory_space<hbm>> -> memref<128x64xf32, #tpu.memory_space<hbm>>
    %dma_start3A_787 = arith.constant 0 : i32
    %dma_start3A_788 = arith.constant 0 : i32
    %dma_start3A_789 = tpu.memref_slice %arg6[%dma_start3A_778, %dma_start3A_787, %dma_start3A_788] : memref<8x128x64xf32, #tpu.memory_space<vmem>> -> memref<1x128x64xf32, #tpu.memory_space<vmem>>
    %dma_start3A_790 = tpu.memref_squeeze %dma_start3A_789 : memref<1x128x64xf32, #tpu.memory_space<vmem>> -> memref<128x64xf32, #tpu.memory_space<vmem>>
    tpu.enqueue_dma source(%dma_start3A_790 : memref<128x64xf32, #tpu.memory_space<vmem>>) target(%dma_start3A_786 : memref<128x64xf32, #tpu.memory_space<hbm>>) target_semaphore(%arg22 : memref<!tpu.dma_semaphore, #tpu.memory_space<semaphore_mem>>)
    %add3A_791 = arith.constant 25472 : i32
    %add3A_792 = arith.addi %mul3A_2, %add3A_791 : i32
    %dma_wait3A_793 = arith.constant 7 : i32
    %dma_wait3A_794 = arith.constant 0 : i32
    %dma_wait3A_795 = arith.constant 0 : i32
    %dma_wait3A_796 = tpu.memref_slice %arg6[%dma_wait3A_793, %dma_wait3A_794, %dma_wait3A_795] : memref<8x128x64xf32, #tpu.memory_space<vmem>> -> memref<1x128x64xf32, #tpu.memory_space<vmem>>
    %dma_wait3A_797 = tpu.memref_squeeze %dma_wait3A_796 : memref<1x128x64xf32, #tpu.memory_space<vmem>> -> memref<128x64xf32, #tpu.memory_space<vmem>>
    %dma_wait3A_798 = arith.constant 0 : i32
    %dma_wait3A_799 = tpu.memref_slice %arg4[%add3A_792, %dma_wait3A_798] : memref<819200x64xf32, #tpu.memory_space<hbm>> -> memref<128x64xf32, #tpu.memory_space<hbm>>
    %dma_wait3A_800 = arith.constant 0 : i32
    %dma_wait3A_801 = tpu.memref_slice %arg4[%add3A_792, %dma_wait3A_800] : memref<819200x64xf32, #tpu.memory_space<hbm>> -> memref<128x64xf32, #tpu.memory_space<hbm>>
    %dma_wait3A_802 = arith.constant 0 : i32
    %dma_wait3A_803 = arith.constant 0 : i32
    %dma_wait3A_804 = tpu.memref_slice %arg6[%dma_wait3A_793, %dma_wait3A_802, %dma_wait3A_803] : memref<8x128x64xf32, #tpu.memory_space<vmem>> -> memref<1x128x64xf32, #tpu.memory_space<vmem>>
    %dma_wait3A_805 = tpu.memref_squeeze %dma_wait3A_804 : memref<1x128x64xf32, #tpu.memory_space<vmem>> -> memref<128x64xf32, #tpu.memory_space<vmem>>
    tpu.wait_dma2 semaphore(%arg22 : memref<!tpu.dma_semaphore, #tpu.memory_space<semaphore_mem>>) src(%dma_wait3A_805 : memref<128x64xf32, #tpu.memory_space<vmem>>) dst(%dma_wait3A_801 : memref<128x64xf32, #tpu.memory_space<hbm>>)
    return
  }
}

</mosaic_0001>

<sc_bundles>
// kernel: kernel.3.cloned.1.call-start
scs
__scs_entry_jumppad:
0x0: {  	(pc) =	sbr.rel $0x88, $3  }
0x1: {  	(tag) =	ssettag $0x0;
	lr =	simm.s32 $0x1  }
0x2: {  	[smem:$0x3F9F] =	sst lr;
	_ =	strace $0xD0000000  }
0x3: {  	_ = 	snop  }
0x4: {  	_ = 	snop  }
0x5: {  	_ = 	snop  }
0x6: {  	_ = 	snop  }
0x7: {  	_ = 	snop  }
__scs_overlays_trampoline_lowered:
0x8: {  	[smem:$0x3FAE] =	sst s0  }
0x9: {  	[smem:$0x3FAF] =	sst s1  }
0xa: {  	[smem:$0x3FB0] =	sst s2  }
0xb: {  	[smem:$0x3FB1] =	sst s3  }
0xc: {  	[smem:$0x3FB2] =	sst s4  }
0xd: {  	[smem:$0x3FB3] =	sst s5  }
0xe: {  	[smem:$0x3FB4] =	sst s6  }
0xf: {  	[smem:$0x3FB5] =	sst s7  }
0x10: {  	[smem:$0x3FB6] =	sst s8  }
0x11: {  	[smem:$0x3FB7] =	sst s9;
	s0 =	simm.s32 @!p0 $0x0  }
0x12: {  	s1 =	sld [smem:$0x3F9D];
	s0 =	simm.s32 @p0 $0x1  }
0x13: {  	[smem:$0x3FB8] =	sst s0;
	s0 =	simm.s32 @!p1 $0x0  }
0x14: {  	s2 =	sld [smem:$0x3F9C];
	s0 =	simm.s32 @p1 $0x1  }
0x15: {  	[smem:$0x3FB9] =	sst s0;
	s0 =	simm.s32 @!p2 $0x0  }
0x16: {  	s3 =	sld [smem:$0x3FDB];
	s0 =	simm.s32 @p2 $0x1  }
0x17: {  	s4 =	simm.s32 $0x1BF5;
	[smem:$0x3FBB] =	sst s0  }
0x18: {  	s0 =	sld [smem:$0x3F9E];
	_ =	swait.ge [sflag:s4], $0x0  }
0x19: {  	s7 =	sld [smem:$0x3F9F]  }
0x1a: {  	s8 =	sadd.s32 $0xFFFFE003, lr  }
0x1b: {  	s9 =	sadd.s32 $0xFFFFFEF7, lr;
	s5 =	simm.s32 $0xFFFFFFFF;
	p2 =	slt.u32 s8, $0xFFFFF086  }
0x1c: {  	p1 =	slt.u32 s9, $0xF7A;
	s5 =	simm.s32 @!p2 $0x0  }
0x1d: {  	s5 =	simm.s32 @p1 $0x1;
	p0 =	seq.s32 s7, s2  }
0x1e: {  	s7 =	smul.u32 @!p0 $0xF7A, s2;
	p2 =	seq.s32 @!p0 s5, $0x0  }
0x1f: {  	s9 =	smul.u32 $0xF7A, s1;
	s8 =	simm.s32 @!p0 $0x1BF5;
	p2 =	por !p2, p0  }
0x20: {  	[sflag:s8] =	ssyncset.s32 @!p0 $0xFFFFF086;
	s6 =	sadd.s32 @!p0 s3, s7;
	s7 =	simm.s32 @!p0 $0x108  }
0x21: {  	s3 =	sadd.s32 s3, s9;
	s6 =	sadd.s32 @!p0 $0x88, s6;
	s7 =	simm.s32 @p2 $0x1082  }
0x22: {  	[simem:s7], [sflag:s8] =	dma.local @!p0 [hbm:s6], $0xF7A  }
0x23: {  	s9 =	sor.u32 $0xD0000000, s2;
	s6 =	simm.s32 $0x108;
	_ =	swait.ge @!p0 [sflag:s8], $0x0  }
0x24: {  	s3 =	sadd.s32 $0x88, s3;
	s6 =	simm.s32 @!p1 $0x1082;
	[sflag:s4] =	ssyncset.s32 $0xFFFFF086  }
0x25: {  	[simem:s6], [sflag:s4] =	dma.local [hbm:s3], $0xF7A  }
0x26: {  	[smem:$0x3F9F] =	sst s1;
	(tag) =	ssettag s2;
	_ =	strace s9  }
0x27: {  	s1 =	sld [smem:$0x3FAF]  }
0x28: {  	s2 =	sld [smem:$0x3FB0]  }
0x29: {  	s4 =	sld [smem:$0x3FB2]  }
0x2a: {  	p0 =	seq.s32 s5, $0x0;
	s5 =	sld [smem:$0x3FB3]  }
0x2b: {  	s6 =	sld [smem:$0x3FB4]  }
0x2c: {  	s7 =	sld [smem:$0x3FB5]  }
0x2d: {  	s3 =	simm.s32 $0x108;
	s8 =	sld [smem:$0x3FB6]  }
0x2e: {  	s3 =	simm.s32 @!p0 $0x1082;
	s9 =	sld [smem:$0x3FB7]  }
0x2f: {  	lr =	sadd.s32 s0, s3;
	s0 =	sld [smem:$0x3FAE]  }
0x30: {  	s3 =	sld [smem:$0x3FB1]  }
0x31: {  	[smem:$0x3FBA] =	sst s10  }
0x32: {  	s10 =	sld [smem:$0x3FB8];
	_ =	sdelay $0x3  }
0x33: {  	p0 =	seq.s32 s10, $0x1;
	s10 =	sld [smem:$0x3FBA];
	_ =	sdelay $0x3  }
0x34: {  	[smem:$0x3FBA] =	sst s10  }
0x35: {  	s10 =	sld [smem:$0x3FB9];
	_ =	sdelay $0x3  }
0x36: {  	p1 =	seq.s32 s10, $0x1;
	s10 =	sld [smem:$0x3FBA];
	_ =	sdelay $0x3  }
0x37: {  	[smem:$0x3FBA] =	sst s10  }
0x38: {  	s10 =	sld [smem:$0x3FBB]  }
0x39: {  	_ = 	snop;
	(pc) =	sbr.ind lr, $3  }
0x3a: {  	_ = 	snop  }
0x3b: {  	_ = 	snop  }
0x3c: {  	p2 =	seq.s32 s10, $0x1;
	s10 =	sld [smem:$0x3FBA]  }
0x3d: {  	_ =	shalt  }
0x3e: {  	_ =	shalt  }
0x3f: {  	_ =	shalt  }
0x40: {  	_ =	shalt  }
0x41: {  	_ =	shalt  }
0x42: {  	_ =	shalt  }
0x43: {  	_ =	shalt  }
0x44: {  	_ =	shalt  }
0x45: {  	_ =	shalt  }
0x46: {  	_ =	shalt  }
0x47: {  	_ =	shalt  }
0x48: {  	_ =	shalt  }
0x49: {  	_ =	shalt  }
0x4a: {  	_ =	shalt  }
0x4b: {  	_ =	shalt  }
0x4c: {  	_ =	shalt  }
0x4d: {  	_ =	shalt  }
0x4e: {  	_ =	shalt  }
0x4f: {  	_ =	shalt  }
0x50: {  	_ =	shalt  }
0x51: {  	_ =	shalt  }
0x52: {  	_ =	shalt  }
0x53: {  	_ =	shalt  }
0x54: {  	_ =	shalt  }
0x55: {  	_ =	shalt  }
0x56: {  	_ =	shalt  }
0x57: {  	_ =	shalt  }
0x58: {  	_ =	shalt  }
0x59: {  	_ =	shalt  }
0x5a: {  	_ =	shalt  }
0x5b: {  	_ =	shalt  }
0x5c: {  	_ =	shalt  }
0x5d: {  	_ =	shalt  }
0x5e: {  	_ =	shalt  }
0x5f: {  	_ =	shalt  }
0x60: {  	_ =	shalt  }
0x61: {  	_ =	shalt  }
0x62: {  	_ =	shalt  }
0x63: {  	_ =	shalt  }
0x64: {  	_ =	shalt  }
0x65: {  	_ =	shalt  }
0x66: {  	_ =	shalt  }
0x67: {  	_ =	shalt  }
0x68: {  	_ =	shalt  }
0x69: {  	_ =	shalt  }
0x6a: {  	_ =	shalt  }
0x6b: {  	_ =	shalt  }
0x6c: {  	_ =	shalt  }
0x6d: {  	_ =	shalt  }
0x6e: {  	_ =	shalt  }
0x6f: {  	_ =	shalt  }
0x70: {  	_ =	shalt  }
0x71: {  	_ =	shalt  }
0x72: {  	_ =	shalt  }
0x73: {  	_ =	shalt  }
0x74: {  	_ =	shalt  }
0x75: {  	_ =	shalt  }
0x76: {  	_ =	shalt  }
0x77: {  	_ =	shalt  }
0x78: {  	_ =	shalt  }
0x79: {  	_ =	shalt  }
0x7a: {  	_ =	shalt  }
0x7b: {  	_ =	shalt  }
0x7c: {  	_ =	shalt  }
0x7d: {  	_ =	shalt  }
0x7e: {  	_ =	shalt  }
0x7f: {  	_ =	shalt  }
0x80: {  	_ =	shalt  }
0x81: {  	_ =	shalt  }
0x82: {  	_ =	shalt  }
0x83: {  	_ =	shalt  }
0x84: {  	_ =	shalt  }
0x85: {  	_ =	shalt  }
0x86: {  	_ =	shalt  }
0x87: {  	_ =	shalt  }
.Lfunc_end0:
.L_simem_size_0:
called_computation.1_lowered:
.L_overlay_start_0:
0x88: {  	s2 =	sld [smem:$0x3FD9]  }
0x89: {  	s3 =	sld [smem:$0x3FFE];
	_ =	sdelay $0x1  }
0x8a: {  	s1 =	srdreg.scid  }
0x8b: {  	s0 =	sand.u32 $0x1, s1  }
0x8c: {  	s17 =	sshll.u32 s0, $0xA;
	s2 =	sadd.s32 s3, s2  }
0x8d: {  	s2 =	sadd.s32 s2, s17  }
0x8e: {  	[smem:$0x3FC6] =	sst s2  }
0x8f: {  	_ = 	snop  }
0x90: {  	s2 =	sld [smem:$0x3FD0];
	(tm) =	ssettm $0x1  }
0x91: {  	s18 =	sld [smem:$0x3FFB];
	_ =	sdelay $0x3  }
0x92: {  	_ =	strace s18  }
0x93: {  	s3 =	sld [smem:$0x3FFC];
	_ =	sdelay $0x3  }
0x94: {  	_ =	strace s3  }
0x95: {  	s3 =	sld [smem:$0x3FFD];
	_ =	sdelay $0x3  }
0x96: {  	_ =	strace s3  }
0x97: {  	_ =	strace $0x8FFFFFFF  }
0x98: {  	s19 =	sld [smem:$0x3FDB];
	_ =	sdelay $0x1  }
0x99: {  	s4 =	simm.s32 $_scs_section_size  }
0x9a: {  	s5 =	simm.s32 $_size__tile_overlayer_lowered;
	s6 =	simm.s32 $_tile_overlayer_lowered  }
0x9b: {  	s22 =	simm.s32 $0x1BFF;
	s21 =	sshll.u32 s6, $0x1;
	s3 =	sadd.s32 s4, s19  }
0x9c: {  	s7 =	simm.s32 $0x0;
	s20 =	sshll.u32 s5, $0x1;
	s5 =	sadd.s32 s21, s3  }
0x9d: {  	[timem:s7], [sflag:s22] =	dma.local [hbm:s5], s20  }
0x9e: {  	_ =	swait.ge [sflag:s22], s20  }
0x9f: {  	s4 =	ssub.s32 $0x0, s20;
	[sflag:s22] =	ssyncset.done $0x0  }
0xa0: {  	[sflag:s22] =	ssyncadd.s32 s4;
	_ =	sdelay $0x1  }
0xa1: {  	s23 =	simm.s32 $0x1B8B  }
0xa2: {  	_ =	swait.ge [sflag:s23], $0x1  }
0xa3: {  	[sflag:s23] =	ssyncset.done $0x0  }
0xa4: {  	s25 =	simm.s32 $0x1B8E;
	s24 =	sld [smem:$0x3FFE];
	[sflag:s23] =	ssyncadd.s32 $0xFFFFFFFF  }
0xa5: {  	s26 =	simm.s32 $execute0_lowered;
	[smem:$0x3FD2] =	sst s25  }
0xa6: {  	s5 =	sshll.u32 s26, $0x1;
	_ =	strace $0x80000046;
	[dreg:$0x1] =	wrdreg $0xFFFFFFFF  }
0xa7: {  	s28 =	simm.s32 $_size_execute0_lowered;
	s3 =	sadd.s32 s3, s5;
	[dreg:$0x0] =	wrdreg $0x0  }
0xa8: {  	s5 =	sshll.u32 s28, $0x1;
	[dreg:$0x2] =	wrdreg s3  }
0xa9: {  	[dreg:$0x3] =	wrdreg s5  }
0xaa: {  	[dreg:$0x4] =	wrdreg $0xC0  }
0xab: {  	_ =	task [dreg:s7], $0x5FFFF  }
0xac: {  	[dreg:$0x1] =	wrdreg $0xFFFFFFFF  }
0xad: {  	[dreg:$0x0] =	wrdreg $0x60  }
0xae: {  	[dreg:$0x2] =	wrdreg s24  }
0xaf: {  	[dreg:$0x3] =	wrdreg s2  }
0xb0: {  	[dreg:$0x4] =	wrdreg $0x9  }
0xb1: {  	_ =	task.clear_ibuf [dreg:s7], $0x5FFFF;
	_ =	strace $0x90000046  }
0xb2: {  	s29 =	simm.s32 $0x9;
	_ =	strace $0x80000048  }
0xb3: {  	_ =	swait.ge [sflag:s29], $0x1  }
0xb4: {  	[sflag:s29] =	ssyncadd.s32 $0xFFFFFFFF  }
0xb5: {  	_ =	strace $0x90000048  }
0xb6: {  	_ =	sfence  }
0xb7: {  	s30 =	sld [smem:$0x0];
	_ =	sdelay $0x2  }
0xb8: {  	s31 =	sshll.u32 s1, $0xD;
	s1 =	sshrl.u32 s1, $0x2  }
0xb9: {  	s3 =	sand.u32 $0x4000, s31;
	s1 =	sadd.s32 s1, s30  }
0xba: {  	s0 =	sor.u32 s3, s0;
	s1 =	sshll.u32 s1, $0x11  }
0xbb: {  	s0 =	sor.u32 s1, s0  }
0xbc: {  	s0 =	sadd.s32 $0x8F2B, s0  }
0xbd: {  	[sflag:s0] =	ssyncadd.remote.s32 $0x1  }
0xbe: {  	_ =	sfence.sel $0xFFFF  }
0xbf: {  	[dreg:$0x0] =	wrdreg $0xFFFFFFFF;
	(pc) =	sbr.abs _section_cstart, $3  }
0xc0: {  	[dreg:$0x1] =	wrdreg $0xFFFFFFFF  }
0xc1: {  	_ =	task.clear_ibuf [dreg:s7], $0x2FFFF;
	_ =	strace $0x9FFFFFFF  }
0xc2: {  	(tm) =	ssettm $0x7FFFFFFF  }
0xc3: {  	_ =	shalt  }
tec
execute0_lowered:
.L_overlay_start_1:
0x0: {  	(tag) =	ssettag $0x1  }
0x1: {  	s0 =	rddreg [dreg:$0x0];
	s1 =	srdreg.scid  }
0x2: {  	s9 =	stileid.u32;
	s26 =	rddreg [dreg:$0x1]  }
0x3: {  	s1 =	sand.u32 $0x1, s1;
	s2 =	sshll.u32 s9, $0x1;
	s18 =	smul.u32 $0x320000, s9  }
0x4: {  	s3 =	simm.s32 $0x0;
	s2 =	sor.u32 s1, s2;
	s13 =	smul.u32 $0x6400, s1  }
0x5: {  	[smem:$0x7FF] =	sst s3;
	s5 =	ssub.s32 $0x2, s1;
	s8 =	smul.u32 $0x32000, s2  }
0x6: {  	_ =	strace $0x80000047;
	s1 =	smul.u32 $0x190000, s1;
	s7 =	sshrl.u32 s5, $0x1  }
0x7: {  	s4 =	smul.u32 $0x6400, s2;
	s5 =	ssub.s32 s5, s7;
	s28 =	sadd.s32 s26, s8  }
0x8: {  	s1 =	sadd.s32 s1, s18;
	s5 =	smax.u32 s5, $0x1;
	[dreg:$0xb] =	wrdreg s28  }
0x9: {  	s6 =	sshrl.u32 s4, $0x3;
	s1 =	sadd.s32 $0x10000, s1;
	[dreg:$0x1b] =	wrdreg s5  }
0xa: {  	s4 =	sadd.s32 $0x19800, s0;
	s31 =	sadd.s32 $0x400, s28;
	[dreg:$0x1c] =	wrdreg s1  }
0xb: {  	s0 =	sadd.s32 s6, s0;
	s6 =	sadd.s32 $0x800, s28;
	[dreg:$0xc] =	wrdreg s31  }
0xc: {  	s11 =	smul.u32 $0xC800, s9;
	s8 =	sadd.s32 $0xC00, s28;
	[dreg:$0xd] =	wrdreg s6  }
0xd: {  	s29 =	smul.u32 $0x190000, s2;
	s10 =	sadd.s32 $0x1000, s28;
	[dreg:$0xe] =	wrdreg s8  }
0xe: {  	s2 =	sadd.s32 s13, s11;
	s12 =	sadd.s32 $0x1400, s28;
	[dreg:$0xf] =	wrdreg s10  }
0xf: {  	s2 =	sshll.u32 s2, $0x3;
	s7 =	sadd.s32 $0x1C00, s28;
	[dreg:$0x10] =	wrdreg s12  }
0x10: {  	s20 =	sadd.s32 $0x3800, s2;
	[dreg:$0x12] =	wrdreg s7  }
0x11: {  	s22 =	sadd.s32 $0x3400, s2;
	[dreg:$0x3] =	wrdreg s20  }
0x12: {  	s23 =	sadd.s32 $0x3000, s2;
	[dreg:$0x4] =	wrdreg s22  }
0x13: {  	s25 =	sadd.s32 $0x2C00, s2;
	[dreg:$0x5] =	wrdreg s23  }
0x14: {  	s0 =	sadd.s32 $0x800, s0;
	[dreg:$0x6] =	wrdreg s25  }
0x15: {  	s8 =	sadd.s32 $0x1800, s28;
	[dreg:$0xa] =	wrdreg s0  }
0x16: {  	s30 =	simm.s32 $0x6400;
	s28 =	sadd.s32 $0x2800, s2;
	[dreg:$0x11] =	wrdreg s8  }
0x17: {  	s31 =	sadd.s32 $0x3C00, s2;
	s0 =	sshrl.u32 s29, $0x3;
	[dreg:$0x7] =	wrdreg s28  }
0x18: {  	s29 =	sadd.s32 $0x2400, s2;
	[dreg:$0x9] =	wrdreg s31;
	s0 =	sadd.s32 s26, s0  }
0x19: {  	s9 =	simm.s32 $0x2;
	[dreg:$0x8] =	wrdreg s29;
	s14 =	sadd.s32 $0x30000, s0  }
0x1a: {  	s11 =	simm.s32 $0x3;
	s15 =	sadd.s32 $0x30400, s0;
	[dreg:$0x13] =	wrdreg s14  }
0x1b: {  	s13 =	simm.s32 $0x4;
	s16 =	sadd.s32 $0x30800, s0;
	[dreg:$0x14] =	wrdreg s15  }
0x1c: {  	s18 =	simm.s32 $0xE;
	s17 =	sadd.s32 $0x30C00, s0;
	[dreg:$0x15] =	wrdreg s16  }
0x1d: {  	s25 =	simm.s32 $0x80;
	s19 =	sadd.s32 $0x31000, s0;
	[dreg:$0x16] =	wrdreg s17  }
0x1e: {  	s10 =	simm.s32 $0xA;
	s21 =	sadd.s32 $0x31400, s0;
	[dreg:$0x17] =	wrdreg s19  }
0x1f: {  	s12 =	simm.s32 $0xB;
	s24 =	sadd.s32 $0x31800, s0;
	[dreg:$0x18] =	wrdreg s21  }
0x20: {  	s20 =	simm.s32 $0xF;
	s0 =	sadd.s32 $0x31C00, s0;
	[dreg:$0x19] =	wrdreg s24  }
0x21: {  	s22 =	simm.s32 $0x10;
	[dreg:$0x1a] =	wrdreg s0;
	s14 =	simm.s32 $0xC  }
0x22: {  	s15 =	simm.s32 $0x5;
	s16 =	simm.s32 $0xD;
	s17 =	simm.s32 $0x6  }
0x23: {  	s19 =	simm.s32 $0x7;
	s21 =	simm.s32 $0x8;
	s0 =	simm.s32 $0x0  }
.LBB2_1:
0x24: {  	[dreg:$0x1d] =	wrdreg s0  }
0x25: {  	s2 =	rddreg [dreg:$0xa];
	s1 =	simm.s32 $0x11  }
0x26: {  	[tilespmem:s3], [sflag:$0x11] =	stream.linear.gather [hbm4b:s2+s3], $0x6400, $0x38;
	[tilespmem:$0x16400] =	vst v63  }
0x27: {  	_ =	swait.ge [sflag:s1], $0x6400  }
0x28: {  	[sflag:s1] =	ssyncset.done $0x0  }
0x29: {  	s23 =	simm.s32 $0x6400;
	[sflag:s1] =	ssyncadd.s32 $0xFFFF9C00  }
0x2a: {  	[tilespmem:s23], [sflag:$0x1] =	stream.indirect.gather [hbm4b:s4+s25], $0x40, s3, s25, $0xb8;
	[tilespmem:$0x16400] =	vst v63  }
0x2b: {  	s1 =	simm.s32 $0x8400  }
0x2c: {  	[tilespmem:s1], [sflag:$0x2] =	stream.indirect.gather [hbm4b:s4+s25], $0x40, s25, s25, $0xb8;
	[tilespmem:$0x16400] =	vst v63  }
0x2d: {  	s5 =	simm.s32 $0x100;
	s24 =	simm.s32 $0xA400  }
0x2e: {  	[tilespmem:s24], [sflag:$0x3] =	stream.indirect.gather [hbm4b:s4+s25], $0x40, s5, s25, $0xb8;
	[tilespmem:$0x16400] =	vst v63  }
0x2f: {  	s6 =	simm.s32 $0x180;
	s28 =	simm.s32 $0xC400  }
0x30: {  	[tilespmem:s28], [sflag:$0x4] =	stream.indirect.gather [hbm4b:s4+s25], $0x40, s6, s25, $0xb8;
	[tilespmem:$0x16400] =	vst v63  }
0x31: {  	s7 =	simm.s32 $0x200;
	s29 =	simm.s32 $0xE400  }
0x32: {  	[tilespmem:s29], [sflag:$0x5] =	stream.indirect.gather [hbm4b:s4+s25], $0x40, s7, s25, $0xb8;
	[tilespmem:$0x16400] =	vst v63  }
0x33: {  	s8 =	simm.s32 $0x280;
	s5 =	simm.s32 $0x10400  }
0x34: {  	[tilespmem:s5], [sflag:$0x6] =	stream.indirect.gather [hbm4b:s4+s25], $0x40, s8, s25, $0xb8;
	[tilespmem:$0x16400] =	vst v63  }
0x35: {  	s31 =	simm.s32 $0x300;
	s7 =	simm.s32 $0x12400  }
0x36: {  	[tilespmem:s7], [sflag:$0x7] =	stream.indirect.gather [hbm4b:s4+s25], $0x40, s31, s25, $0xb8;
	[tilespmem:$0x16400] =	vst v63  }
0x37: {  	s0 =	simm.s32 $0x1;
	s2 =	simm.s32 $0x380;
	s6 =	simm.s32 $0x14400  }
0x38: {  	[tilespmem:s6], [sflag:$0x8] =	stream.indirect.gather [hbm4b:s4+s25], $0x40, s2, s25, $0xb8;
	[tilespmem:$0x16400] =	vst v63  }
0x39: {  	_ =	swait.ge [sflag:s0], $0x2000  }
0x3a: {  	[sflag:s0] =	ssyncset.done $0x0  }
0x3b: {  	s8 =	rddreg [dreg:$0xb];
	[sflag:s0] =	ssyncadd.s32 $0xFFFFE000  }
0x3c: {  	[hbm4b:s8+s3] =	stream.linear.scatter [tilespmem:s23], [sflag:$0x9], $0x2000, $0x38;
	[tilespmem:$0x16400] =	vst v63  }
0x3d: {  	s8 =	simm.s32 $0x9  }
0x3e: {  	_ =	swait.ge [sflag:s8], $0x2000  }
0x3f: {  	[sflag:s8] =	ssyncset.done $0x0  }
0x40: {  	s31 =	simm.s32 $0x400;
	[sflag:s8] =	ssyncadd.s32 $0xFFFFE000  }
0x41: {  	[tilespmem:s23], [sflag:$0x1] =	stream.indirect.gather [hbm4b:s4+s25], $0x40, s31, s25, $0xb8;
	[tilespmem:$0x16400] =	vst v63  }
0x42: {  	_ =	swait.ge [sflag:s9], $0x2000  }
0x43: {  	[sflag:s9] =	ssyncset.done $0x0  }
0x44: {  	s31 =	rddreg [dreg:$0xc];
	[sflag:s9] =	ssyncadd.s32 $0xFFFFE000  }
0x45: {  	[hbm4b:s31+s3] =	stream.linear.scatter [tilespmem:s1], [sflag:$0xA], $0x2000, $0x38;
	[tilespmem:$0x16400] =	vst v63  }
0x46: {  	_ =	swait.ge [sflag:s10], $0x2000  }
0x47: {  	[sflag:s10] =	ssyncset.done $0x0  }
0x48: {  	s31 =	simm.s32 $0x480;
	[sflag:s10] =	ssyncadd.s32 $0xFFFFE000  }
0x49: {  	[tilespmem:s1], [sflag:$0x2] =	stream.indirect.gather [hbm4b:s4+s25], $0x40, s31, s25, $0xb8;
	[tilespmem:$0x16400] =	vst v63  }
0x4a: {  	_ =	swait.ge [sflag:s11], $0x2000  }
0x4b: {  	[sflag:s11] =	ssyncset.done $0x0  }
0x4c: {  	s31 =	rddreg [dreg:$0xd];
	[sflag:s11] =	ssyncadd.s32 $0xFFFFE000  }
0x4d: {  	[hbm4b:s31+s3] =	stream.linear.scatter [tilespmem:s24], [sflag:$0xB], $0x2000, $0x38;
	[tilespmem:$0x16400] =	vst v63  }
0x4e: {  	_ =	swait.ge [sflag:s12], $0x2000  }
0x4f: {  	[sflag:s12] =	ssyncset.done $0x0  }
0x50: {  	s31 =	simm.s32 $0x500;
	[sflag:s12] =	ssyncadd.s32 $0xFFFFE000  }
0x51: {  	[tilespmem:s24], [sflag:$0x3] =	stream.indirect.gather [hbm4b:s4+s25], $0x40, s31, s25, $0xb8;
	[tilespmem:$0x16400] =	vst v63  }
0x52: {  	_ =	swait.ge [sflag:s13], $0x2000  }
0x53: {  	[sflag:s13] =	ssyncset.done $0x0  }
0x54: {  	s31 =	rddreg [dreg:$0xe];
	[sflag:s13] =	ssyncadd.s32 $0xFFFFE000  }
0x55: {  	[hbm4b:s31+s3] =	stream.linear.scatter [tilespmem:s28], [sflag:$0xC], $0x2000, $0x38;
	[tilespmem:$0x16400] =	vst v63  }
0x56: {  	_ =	swait.ge [sflag:s14], $0x2000  }
0x57: {  	[sflag:s14] =	ssyncset.done $0x0  }
0x58: {  	s31 =	simm.s32 $0x580;
	[sflag:s14] =	ssyncadd.s32 $0xFFFFE000  }
0x59: {  	[tilespmem:s28], [sflag:$0x4] =	stream.indirect.gather [hbm4b:s4+s25], $0x40, s31, s25, $0xb8;
	[tilespmem:$0x16400] =	vst v63  }
0x5a: {  	_ =	swait.ge [sflag:s15], $0x2000  }
0x5b: {  	[sflag:s15] =	ssyncset.done $0x0  }
0x5c: {  	s31 =	rddreg [dreg:$0xf];
	[sflag:s15] =	ssyncadd.s32 $0xFFFFE000  }
0x5d: {  	[hbm4b:s31+s3] =	stream.linear.scatter [tilespmem:s29], [sflag:$0xD], $0x2000, $0x38;
	[tilespmem:$0x16400] =	vst v63  }
0x5e: {  	_ =	swait.ge [sflag:s16], $0x2000  }
0x5f: {  	[sflag:s16] =	ssyncset.done $0x0  }
0x60: {  	s31 =	simm.s32 $0x600;
	[sflag:s16] =	ssyncadd.s32 $0xFFFFE000  }
0x61: {  	[tilespmem:s29], [sflag:$0x5] =	stream.indirect.gather [hbm4b:s4+s25], $0x40, s31, s25, $0xb8;
	[tilespmem:$0x16400] =	vst v63  }
0x62: {  	_ =	swait.ge [sflag:s17], $0x2000  }
0x63: {  	[sflag:s17] =	ssyncset.done $0x0  }
0x64: {  	s31 =	rddreg [dreg:$0x10];
	[sflag:s17] =	ssyncadd.s32 $0xFFFFE000  }
0x65: {  	[hbm4b:s31+s3] =	stream.linear.scatter [tilespmem:s5], [sflag:$0xE], $0x2000, $0x38;
	[tilespmem:$0x16400] =	vst v63  }
0x66: {  	_ =	swait.ge [sflag:s18], $0x2000  }
0x67: {  	[sflag:s18] =	ssyncset.done $0x0  }
0x68: {  	s31 =	simm.s32 $0x680;
	[sflag:s18] =	ssyncadd.s32 $0xFFFFE000  }
0x69: {  	[tilespmem:s5], [sflag:$0x6] =	stream.indirect.gather [hbm4b:s4+s25], $0x40, s31, s25, $0xb8;
	[tilespmem:$0x16400] =	vst v63  }
0x6a: {  	_ =	swait.ge [sflag:s19], $0x2000  }
0x6b: {  	[sflag:s19] =	ssyncset.done $0x0  }
0x6c: {  	s31 =	rddreg [dreg:$0x11];
	[sflag:s19] =	ssyncadd.s32 $0xFFFFE000  }
0x6d: {  	[hbm4b:s31+s3] =	stream.linear.scatter [tilespmem:s7], [sflag:$0xF], $0x2000, $0x38;
	[tilespmem:$0x16400] =	vst v63  }
0x6e: {  	_ =	swait.ge [sflag:s20], $0x2000  }
0x6f: {  	[sflag:s20] =	ssyncset.done $0x0  }
0x70: {  	s31 =	simm.s32 $0x700;
	[sflag:s20] =	ssyncadd.s32 $0xFFFFE000  }
0x71: {  	[tilespmem:s7], [sflag:$0x7] =	stream.indirect.gather [hbm4b:s4+s25], $0x40, s31, s25, $0xb8;
	[tilespmem:$0x16400] =	vst v63  }
0x72: {  	_ =	swait.ge [sflag:s21], $0x2000  }
0x73: {  	[sflag:s21] =	ssyncset.done $0x0  }
0x74: {  	s31 =	rddreg [dreg:$0x12];
	[sflag:s21] =	ssyncadd.s32 $0xFFFFE000  }
0x75: {  	[hbm4b:s31+s3] =	stream.linear.scatter [tilespmem:s6], [sflag:$0x10], $0x2000, $0x38;
	[tilespmem:$0x16400] =	vst v63  }
0x76: {  	_ =	swait.ge [sflag:s22], $0x2000  }
0x77: {  	[sflag:s22] =	ssyncset.done $0x0  }
0x78: {  	s31 =	simm.s32 $0x780;
	[sflag:s22] =	ssyncadd.s32 $0xFFFFE000  }
0x79: {  	[tilespmem:s6], [sflag:$0x8] =	stream.indirect.gather [hbm4b:s4+s25], $0x40, s31, s25, $0xb8;
	[tilespmem:$0x16400] =	vst v63  }
0x7a: {  	_ =	swait.ge [sflag:s0], $0x2000  }
0x7b: {  	s6 =	rddreg [dreg:$0x1c]  }
0x7c: {  	[sflag:s0] =	ssyncset.done $0x0;
	s31 =	sshrl.u32 s6, $0x3  }
0x7d: {  	[sflag:s0] =	ssyncadd.s32 $0xFFFFE000;
	s2 =	sadd.s32 s26, s31  }
0x7e: {  	[hbm4b:s2+s3] =	stream.linear.scatter [tilespmem:s23], [sflag:$0x9], $0x2000, $0x38;
	[tilespmem:$0x16400] =	vst v63  }
0x7f: {  	_ =	swait.ge [sflag:s8], $0x2000  }
0x80: {  	[sflag:s8] =	ssyncset.done $0x0  }
0x81: {  	[sflag:s8] =	ssyncadd.s32 $0xFFFFE000;
	s8 =	simm.s32 $0x800  }
0x82: {  	[tilespmem:s23], [sflag:$0x1] =	stream.indirect.gather [hbm4b:s4+s25], $0x40, s8, s25, $0xb8;
	[tilespmem:$0x16400] =	vst v63  }
0x83: {  	_ =	swait.ge [sflag:s9], $0x2000  }
0x84: {  	s31 =	rddreg [dreg:$0x8];
	[sflag:s9] =	ssyncset.done $0x0  }
0x85: {  	[sflag:s9] =	ssyncadd.s32 $0xFFFFE000;
	s2 =	sadd.s32 s26, s31  }
0x86: {  	[hbm4b:s2+s3] =	stream.linear.scatter [tilespmem:s1], [sflag:$0xA], $0x2000, $0x38;
	[tilespmem:$0x16400] =	vst v63  }
0x87: {  	_ =	swait.ge [sflag:s10], $0x2000  }
0x88: {  	[sflag:s10] =	ssyncset.done $0x0  }
0x89: {  	s0 =	simm.s32 $0x880;
	[sflag:s10] =	ssyncadd.s32 $0xFFFFE000  }
0x8a: {  	[tilespmem:s1], [sflag:$0x2] =	stream.indirect.gather [hbm4b:s4+s25], $0x40, s0, s25, $0xb8;
	[tilespmem:$0x16400] =	vst v63  }
0x8b: {  	_ =	swait.ge [sflag:s11], $0x2000  }
0x8c: {  	s8 =	rddreg [dreg:$0x7];
	[sflag:s11] =	ssyncset.done $0x0  }
0x8d: {  	[sflag:s11] =	ssyncadd.s32 $0xFFFFE000;
	s2 =	sadd.s32 s26, s8  }
0x8e: {  	[hbm4b:s2+s3] =	stream.linear.scatter [tilespmem:s24], [sflag:$0xB], $0x2000, $0x38;
	[tilespmem:$0x16400] =	vst v63  }
0x8f: {  	_ =	swait.ge [sflag:s12], $0x2000  }
0x90: {  	[sflag:s12] =	ssyncset.done $0x0  }
0x91: {  	s23 =	simm.s32 $0x900;
	[sflag:s12] =	ssyncadd.s32 $0xFFFFE000  }
0x92: {  	[tilespmem:s24], [sflag:$0x3] =	stream.indirect.gather [hbm4b:s4+s25], $0x40, s23, s25, $0xb8;
	[tilespmem:$0x16400] =	vst v63  }
0x93: {  	_ =	swait.ge [sflag:s13], $0x2000  }
0x94: {  	s24 =	rddreg [dreg:$0x6];
	[sflag:s13] =	ssyncset.done $0x0  }
0x95: {  	[sflag:s13] =	ssyncadd.s32 $0xFFFFE000;
	s2 =	sadd.s32 s26, s24  }
0x96: {  	[hbm4b:s2+s3] =	stream.linear.scatter [tilespmem:s28], [sflag:$0xC], $0x2000, $0x38;
	[tilespmem:$0x16400] =	vst v63  }
0x97: {  	_ =	swait.ge [sflag:s14], $0x2000  }
0x98: {  	[sflag:s14] =	ssyncset.done $0x0  }
0x99: {  	s31 =	simm.s32 $0x980;
	[sflag:s14] =	ssyncadd.s32 $0xFFFFE000  }
0x9a: {  	[tilespmem:s28], [sflag:$0x4] =	stream.indirect.gather [hbm4b:s4+s25], $0x40, s31, s25, $0xb8;
	[tilespmem:$0x16400] =	vst v63  }
0x9b: {  	_ =	swait.ge [sflag:s15], $0x2000  }
0x9c: {  	s0 =	rddreg [dreg:$0x5];
	[sflag:s15] =	ssyncset.done $0x0  }
0x9d: {  	[sflag:s15] =	ssyncadd.s32 $0xFFFFE000;
	s2 =	sadd.s32 s26, s0  }
0x9e: {  	[hbm4b:s2+s3] =	stream.linear.scatter [tilespmem:s29], [sflag:$0xD], $0x2000, $0x38;
	[tilespmem:$0x16400] =	vst v63  }
0x9f: {  	_ =	swait.ge [sflag:s16], $0x2000  }
0xa0: {  	[sflag:s16] =	ssyncset.done $0x0  }
0xa1: {  	s1 =	simm.s32 $0xA00;
	[sflag:s16] =	ssyncadd.s32 $0xFFFFE000  }
0xa2: {  	[tilespmem:s29], [sflag:$0x5] =	stream.indirect.gather [hbm4b:s4+s25], $0x40, s1, s25, $0xb8;
	[tilespmem:$0x16400] =	vst v63  }
0xa3: {  	_ =	swait.ge [sflag:s17], $0x2000  }
0xa4: {  	s8 =	rddreg [dreg:$0x4];
	[sflag:s17] =	ssyncset.done $0x0  }
0xa5: {  	[sflag:s17] =	ssyncadd.s32 $0xFFFFE000;
	s2 =	sadd.s32 s26, s8  }
0xa6: {  	[hbm4b:s2+s3] =	stream.linear.scatter [tilespmem:s5], [sflag:$0xE], $0x2000, $0x38;
	[tilespmem:$0x16400] =	vst v63  }
0xa7: {  	_ =	swait.ge [sflag:s18], $0x2000  }
0xa8: {  	[sflag:s18] =	ssyncset.done $0x0  }
0xa9: {  	s23 =	simm.s32 $0xA80;
	[sflag:s18] =	ssyncadd.s32 $0xFFFFE000  }
0xaa: {  	[tilespmem:s5], [sflag:$0x6] =	stream.indirect.gather [hbm4b:s4+s25], $0x40, s23, s25, $0xb8;
	[tilespmem:$0x16400] =	vst v63  }
0xab: {  	_ =	swait.ge [sflag:s19], $0x2000  }
0xac: {  	s24 =	rddreg [dreg:$0x3];
	[sflag:s19] =	ssyncset.done $0x0  }
0xad: {  	[sflag:s19] =	ssyncadd.s32 $0xFFFFE000;
	s2 =	sadd.s32 s26, s24  }
0xae: {  	[hbm4b:s2+s3] =	stream.linear.scatter [tilespmem:s7], [sflag:$0xF], $0x2000, $0x38;
	[tilespmem:$0x16400] =	vst v63  }
0xaf: {  	_ =	swait.ge [sflag:s20], $0x2000  }
0xb0: {  	[sflag:s20] =	ssyncset.done $0x0  }
0xb1: {  	s29 =	simm.s32 $0xB00;
	[sflag:s20] =	ssyncadd.s32 $0xFFFFE000  }
0xb2: {  	[tilespmem:s7], [sflag:$0x7] =	stream.indirect.gather [hbm4b:s4+s25], $0x40, s29, s25, $0xb8;
	[tilespmem:$0x16400] =	vst v63  }
0xb3: {  	s28 =	smov.u32 s26;
	s23 =	sadd.s32 $0x10000, s6;
	_ =	swait.ge [sflag:s21], $0x2000  }
0xb4: {  	s6 =	sadd.s32 $0x2000, s26;
	s31 =	rddreg [dreg:$0x9];
	[sflag:s21] =	ssyncset.done $0x0  }
0xb5: {  	s24 =	simm.s32 $0x1000;
	[sflag:s21] =	ssyncadd.s32 $0xFFFFE000;
	s2 =	sadd.s32 s26, s31  }
.LBB2_2:
0xb6: {  	s0 =	simm.s32 $0x14400  }
0xb7: {  	[hbm4b:s2+s3] =	stream.linear.scatter [tilespmem:s0], [sflag:$0x10], $0x2000, $0x38;
	[tilespmem:$0x16400] =	vst v63  }
0xb8: {  	s8 =	smov.u32 s24;
	_ =	swait.ge [sflag:s22], $0x2000  }
0xb9: {  	s2 =	sshra.s32 s8, $0x2;
	[sflag:s22] =	ssyncset.done $0x0  }
0xba: {  	s26 =	sadd.s32 $0x780, s2;
	[sflag:s22] =	ssyncadd.s32 $0xFFFFE000  }
0xbb: {  	[tilespmem:s0], [sflag:$0x8] =	stream.indirect.gather [hbm4b:s4+s25], $0x40, s26, s25, $0xb8;
	[tilespmem:$0x16400] =	vst v63  }
0xbc: {  	s26 =	simm.s32 $0x1  }
0xbd: {  	_ =	swait.ge [sflag:s26], $0x2000  }
0xbe: {  	s1 =	sshrl.u32 s23, $0x3;
	s5 =	simm.s32 $0x9;
	[sflag:s26] =	ssyncset.done $0x0  }
0xbf: {  	[sflag:s26] =	ssyncadd.s32 $0xFFFFE000;
	s26 =	sadd.s32 s28, s1;
	s1 =	simm.s32 $0x6400  }
0xc0: {  	[hbm4b:s26+s3] =	stream.linear.scatter [tilespmem:s1], [sflag:$0x9], $0x2000, $0x38;
	[tilespmem:$0x16400] =	vst v63  }
0xc1: {  	_ =	swait.ge [sflag:s5], $0x2000  }
0xc2: {  	[sflag:s5] =	ssyncset.done $0x0  }
0xc3: {  	s7 =	sadd.s32 $0x800, s2;
	[sflag:s5] =	ssyncadd.s32 $0xFFFFE000  }
0xc4: {  	[tilespmem:s1], [sflag:$0x1] =	stream.indirect.gather [hbm4b:s4+s25], $0x40, s7, s25, $0xb8;
	[tilespmem:$0x16400] =	vst v63  }
0xc5: {  	_ =	swait.ge [sflag:s9], $0x2000  }
0xc6: {  	s8 =	rddreg [dreg:$0x8];
	[sflag:s9] =	ssyncset.done $0x0  }
0xc7: {  	s29 =	simm.s32 $0x8400;
	[sflag:s9] =	ssyncadd.s32 $0xFFFFE000;
	s26 =	sadd.s32 s6, s8  }
0xc8: {  	[hbm4b:s26+s3] =	stream.linear.scatter [tilespmem:s29], [sflag:$0xA], $0x2000, $0x38;
	[tilespmem:$0x16400] =	vst v63  }
0xc9: {  	_ =	swait.ge [sflag:s10], $0x2000  }
0xca: {  	[sflag:s10] =	ssyncset.done $0x0  }
0xcb: {  	s0 =	sadd.s32 $0x880, s2;
	[sflag:s10] =	ssyncadd.s32 $0xFFFFE000  }
0xcc: {  	[tilespmem:s29], [sflag:$0x2] =	stream.indirect.gather [hbm4b:s4+s25], $0x40, s0, s25, $0xb8;
	[tilespmem:$0x16400] =	vst v63  }
0xcd: {  	_ =	swait.ge [sflag:s11], $0x2000  }
0xce: {  	s5 =	rddreg [dreg:$0x7];
	[sflag:s11] =	ssyncset.done $0x0  }
0xcf: {  	s7 =	simm.s32 $0xA400;
	[sflag:s11] =	ssyncadd.s32 $0xFFFFE000;
	s26 =	sadd.s32 s6, s5  }
0xd0: {  	[hbm4b:s26+s3] =	stream.linear.scatter [tilespmem:s7], [sflag:$0xB], $0x2000, $0x38;
	[tilespmem:$0x16400] =	vst v63  }
0xd1: {  	_ =	swait.ge [sflag:s12], $0x2000  }
0xd2: {  	[sflag:s12] =	ssyncset.done $0x0  }
0xd3: {  	s8 =	sadd.s32 $0x900, s2;
	[sflag:s12] =	ssyncadd.s32 $0xFFFFE000  }
0xd4: {  	[tilespmem:s7], [sflag:$0x3] =	stream.indirect.gather [hbm4b:s4+s25], $0x40, s8, s25, $0xb8;
	[tilespmem:$0x16400] =	vst v63  }
0xd5: {  	_ =	swait.ge [sflag:s13], $0x2000  }
0xd6: {  	s0 =	rddreg [dreg:$0x6];
	[sflag:s13] =	ssyncset.done $0x0  }
0xd7: {  	s31 =	simm.s32 $0xC400;
	[sflag:s13] =	ssyncadd.s32 $0xFFFFE000;
	s26 =	sadd.s32 s6, s0  }
0xd8: {  	[hbm4b:s26+s3] =	stream.linear.scatter [tilespmem:s31], [sflag:$0xC], $0x2000, $0x38;
	[tilespmem:$0x16400] =	vst v63  }
0xd9: {  	_ =	swait.ge [sflag:s14], $0x2000  }
0xda: {  	[sflag:s14] =	ssyncset.done $0x0  }
0xdb: {  	s5 =	sadd.s32 $0x980, s2;
	[sflag:s14] =	ssyncadd.s32 $0xFFFFE000  }
0xdc: {  	[tilespmem:s31], [sflag:$0x4] =	stream.indirect.gather [hbm4b:s4+s25], $0x40, s5, s25, $0xb8;
	[tilespmem:$0x16400] =	vst v63  }
0xdd: {  	_ =	swait.ge [sflag:s15], $0x2000  }
0xde: {  	s7 =	rddreg [dreg:$0x5];
	[sflag:s15] =	ssyncset.done $0x0  }
0xdf: {  	s5 =	simm.s32 $0xE400;
	[sflag:s15] =	ssyncadd.s32 $0xFFFFE000;
	s26 =	sadd.s32 s6, s7  }
0xe0: {  	[hbm4b:s26+s3] =	stream.linear.scatter [tilespmem:s5], [sflag:$0xD], $0x2000, $0x38;
	[tilespmem:$0x16400] =	vst v63  }
0xe1: {  	_ =	swait.ge [sflag:s16], $0x2000  }
0xe2: {  	[sflag:s16] =	ssyncset.done $0x0  }
0xe3: {  	s8 =	sadd.s32 $0xA00, s2;
	[sflag:s16] =	ssyncadd.s32 $0xFFFFE000  }
0xe4: {  	[tilespmem:s5], [sflag:$0x5] =	stream.indirect.gather [hbm4b:s4+s25], $0x40, s8, s25, $0xb8;
	[tilespmem:$0x16400] =	vst v63  }
0xe5: {  	_ =	swait.ge [sflag:s17], $0x2000  }
0xe6: {  	s7 =	rddreg [dreg:$0x4];
	[sflag:s17] =	ssyncset.done $0x0  }
0xe7: {  	[sflag:s17] =	ssyncadd.s32 $0xFFFFE000;
	s26 =	sadd.s32 s6, s7;
	s7 =	simm.s32 $0x10400  }
0xe8: {  	[hbm4b:s26+s3] =	stream.linear.scatter [tilespmem:s7], [sflag:$0xE], $0x2000, $0x38;
	[tilespmem:$0x16400] =	vst v63  }
0xe9: {  	_ =	swait.ge [sflag:s18], $0x2000  }
0xea: {  	[sflag:s18] =	ssyncset.done $0x0  }
0xeb: {  	s8 =	sadd.s32 $0xA80, s2;
	[sflag:s18] =	ssyncadd.s32 $0xFFFFE000  }
0xec: {  	[tilespmem:s7], [sflag:$0x6] =	stream.indirect.gather [hbm4b:s4+s25], $0x40, s8, s25, $0xb8;
	[tilespmem:$0x16400] =	vst v63  }
0xed: {  	p0 =	sne.s32 s24, $0x16000;
	_ =	swait.ge [sflag:s19], $0x2000  }
0xee: {  	s24 =	sadd.s32 $0x1000, s24;
	s8 =	rddreg [dreg:$0x3];
	[sflag:s19] =	ssyncset.done $0x0  }
0xef: {  	[sflag:s19] =	ssyncadd.s32 $0xFFFFE000;
	s26 =	sadd.s32 s6, s8;
	s8 =	simm.s32 $0x12400  }
0xf0: {  	[hbm4b:s26+s3] =	stream.linear.scatter [tilespmem:s8], [sflag:$0xF], $0x2000, $0x38;
	[tilespmem:$0x16400] =	vst v63  }
0xf1: {  	s23 =	sadd.s32 $0x10000, s23;
	s1 =	simm.s32 $0x8400;
	_ =	swait.ge [sflag:s20], $0x2000  }
0xf2: {  	s29 =	simm.s32 $0xA400;
	s0 =	simm.s32 $0xC400;
	[sflag:s20] =	ssyncset.done $0x0  }
.Ltmp0:
0xf3: {  	s2 =	sadd.s32 $0xB00, s2;
	[sflag:s20] =	ssyncadd.s32 $0xFFFFE000;
	(pc) =	sbr.rel @p0 .LBB2_2-.Ltmp0, $4  }
0xf4: {  	[tilespmem:s8], [sflag:$0x7] =	stream.indirect.gather [hbm4b:s4+s25], $0x40, s2, s25, $0xb8;
	[tilespmem:$0x16400] =	vst v63  }
0xf5: {  	s31 =	simm.s32 $0xE400;
	s5 =	simm.s32 $0x10400;
	_ =	swait.ge [sflag:s21], $0x2000  }
0xf6: {  	s7 =	simm.s32 $0x12400;
	[sflag:s21] =	ssyncset.done $0x0;
	s26 =	rddreg [dreg:$0x9]  }
0xf7: {  	[sflag:s21] =	ssyncadd.s32 $0xFFFFE000;
	s2 =	sadd.s32 s6, s26;
	s6 =	sadd.s32 $0x2000, s6  }
0xf8: {  	s6 =	simm.s32 $0x14400  }
0xf9: {  	[hbm4b:s2+s3] =	stream.linear.scatter [tilespmem:s6], [sflag:$0x10], $0x2000, $0x38;
	[tilespmem:$0x16400] =	vst v63  }
0xfa: {  	_ =	swait.ge [sflag:s22], $0x2000  }
0xfb: {  	[sflag:s22] =	ssyncset.done $0x0  }
0xfc: {  	s24 =	simm.s32 $0x6380;
	s26 =	simm.s32 $0x1;
	[sflag:s22] =	ssyncadd.s32 $0xFFFFE000  }
0xfd: {  	[tilespmem:s6], [sflag:$0x8] =	stream.indirect.gather [hbm4b:s4+s25], $0x40, s24, s25, $0xb8;
	[tilespmem:$0x16400] =	vst v63  }
0xfe: {  	_ =	swait.ge [sflag:s26], $0x2000  }
0xff: {  	[sflag:s26] =	ssyncset.done $0x0  }
0x100: {  	s23 =	simm.s32 $0x9;
	s8 =	rddreg [dreg:$0x13];
	[sflag:s26] =	ssyncadd.s32 $0xFFFFE000  }
0x101: {  	[hbm4b:s8+s3] =	stream.linear.scatter [tilespmem:s30], [sflag:$0x9], $0x2000, $0x38;
	[tilespmem:$0x16400] =	vst v63  }
0x102: {  	_ =	swait.ge [sflag:s23], $0x2000  }
0x103: {  	[sflag:s23] =	ssyncset.done $0x0  }
0x104: {  	[sflag:s23] =	ssyncadd.s32 $0xFFFFE000  }
0x105: {  	_ =	swait.ge [sflag:s9], $0x2000  }
0x106: {  	[sflag:s9] =	ssyncset.done $0x0  }
0x107: {  	s24 =	rddreg [dreg:$0x14];
	[sflag:s9] =	ssyncadd.s32 $0xFFFFE000  }
0x108: {  	[hbm4b:s24+s3] =	stream.linear.scatter [tilespmem:s1], [sflag:$0xA], $0x2000, $0x38;
	[tilespmem:$0x16400] =	vst v63  }
0x109: {  	_ =	swait.ge [sflag:s10], $0x2000  }
0x10a: {  	[sflag:s10] =	ssyncset.done $0x0  }
0x10b: {  	[sflag:s10] =	ssyncadd.s32 $0xFFFFE000  }
0x10c: {  	_ =	swait.ge [sflag:s11], $0x2000  }
0x10d: {  	[sflag:s11] =	ssyncset.done $0x0  }
0x10e: {  	s26 =	rddreg [dreg:$0x15];
	[sflag:s11] =	ssyncadd.s32 $0xFFFFE000  }
0x10f: {  	[hbm4b:s26+s3] =	stream.linear.scatter [tilespmem:s29], [sflag:$0xB], $0x2000, $0x38;
	[tilespmem:$0x16400] =	vst v63  }
0x110: {  	_ =	swait.ge [sflag:s12], $0x2000  }
0x111: {  	[sflag:s12] =	ssyncset.done $0x0  }
0x112: {  	[sflag:s12] =	ssyncadd.s32 $0xFFFFE000  }
0x113: {  	_ =	swait.ge [sflag:s13], $0x2000  }
0x114: {  	[sflag:s13] =	ssyncset.done $0x0  }
0x115: {  	s1 =	rddreg [dreg:$0x16];
	[sflag:s13] =	ssyncadd.s32 $0xFFFFE000  }
0x116: {  	[hbm4b:s1+s3] =	stream.linear.scatter [tilespmem:s0], [sflag:$0xC], $0x2000, $0x38;
	[tilespmem:$0x16400] =	vst v63  }
0x117: {  	_ =	swait.ge [sflag:s14], $0x2000  }
0x118: {  	[sflag:s14] =	ssyncset.done $0x0  }
0x119: {  	[sflag:s14] =	ssyncadd.s32 $0xFFFFE000  }
0x11a: {  	_ =	swait.ge [sflag:s15], $0x2000  }
0x11b: {  	[sflag:s15] =	ssyncset.done $0x0  }
0x11c: {  	s8 =	rddreg [dreg:$0x17];
	[sflag:s15] =	ssyncadd.s32 $0xFFFFE000  }
0x11d: {  	[hbm4b:s8+s3] =	stream.linear.scatter [tilespmem:s31], [sflag:$0xD], $0x2000, $0x38;
	[tilespmem:$0x16400] =	vst v63  }
0x11e: {  	_ =	swait.ge [sflag:s16], $0x2000  }
0x11f: {  	[sflag:s16] =	ssyncset.done $0x0  }
0x120: {  	[sflag:s16] =	ssyncadd.s32 $0xFFFFE000  }
0x121: {  	_ =	swait.ge [sflag:s17], $0x2000  }
0x122: {  	[sflag:s17] =	ssyncset.done $0x0  }
0x123: {  	s23 =	rddreg [dreg:$0x18];
	[sflag:s17] =	ssyncadd.s32 $0xFFFFE000  }
0x124: {  	[hbm4b:s23+s3] =	stream.linear.scatter [tilespmem:s5], [sflag:$0xE], $0x2000, $0x38;
	[tilespmem:$0x16400] =	vst v63  }
0x125: {  	_ =	swait.ge [sflag:s18], $0x2000  }
0x126: {  	[sflag:s18] =	ssyncset.done $0x0  }
0x127: {  	[sflag:s18] =	ssyncadd.s32 $0xFFFFE000  }
0x128: {  	_ =	swait.ge [sflag:s19], $0x2000  }
0x129: {  	[sflag:s19] =	ssyncset.done $0x0  }
0x12a: {  	s24 =	rddreg [dreg:$0x19];
	[sflag:s19] =	ssyncadd.s32 $0xFFFFE000  }
0x12b: {  	[hbm4b:s24+s3] =	stream.linear.scatter [tilespmem:s7], [sflag:$0xF], $0x2000, $0x38;
	[tilespmem:$0x16400] =	vst v63  }
0x12c: {  	_ =	swait.ge [sflag:s20], $0x2000  }
0x12d: {  	[sflag:s20] =	ssyncset.done $0x0  }
0x12e: {  	[sflag:s20] =	ssyncadd.s32 $0xFFFFE000  }
0x12f: {  	_ =	swait.ge [sflag:s21], $0x2000  }
0x130: {  	[sflag:s21] =	ssyncset.done $0x0  }
0x131: {  	s26 =	rddreg [dreg:$0x1a];
	[sflag:s21] =	ssyncadd.s32 $0xFFFFE000  }
0x132: {  	[hbm4b:s26+s3] =	stream.linear.scatter [tilespmem:s6], [sflag:$0x10], $0x2000, $0x38;
	[tilespmem:$0x16400] =	vst v63  }
0x133: {  	_ =	swait.ge [sflag:s22], $0x2000  }
0x134: {  	s29 =	rddreg [dreg:$0x1d]  }
0x135: {  	s31 =	rddreg [dreg:$0x1b];
	s0 =	sadd.s32 $0x1, s29  }
0x136: {  	p0 =	sne.s32 s0, s31  }
.Ltmp1:
0x137: {  	_ = 	snop;
	(pc) =	sbr.rel @p0 .LBB2_1-.Ltmp1, $3  }
0x138: {  	_ =	sdelay $0x1  }
0x139: {  	[sflag:s22] =	ssyncset.done $0x0  }
0x13a: {  	s26 =	smov.u32 s28;
	[sflag:s22] =	ssyncadd.s32 $0xFFFFE000  }
0x13b: {  	_ =	sfence.sel $0x180000  }
0x13c: {  	[bflag:$0x0] =	sbarrier.arrive $0xFFFF  }
0x13d: {  	_ =	strace $0x90000047  }
0x13e: {  	s0 =	stileid.u32;
	[bflag:$0x2] =	sbarrier.arrive $0xFFFF  }
0x13f: {  	p0 =	sne.s32 s0, $0x0;
	s0 =	rddreg [dreg:$0x2]  }
0x140: {  	s0 =	sadd.s32 @!p0 $0x100000, s0  }
0x141: {  	[sflag:s0] =	ssyncadd.tile.s32 @!p0 $0x1;
	_ =	shalt  }
.Lfunc_end2:
_tile_overlayer_lowered:
.L_overlay_start_2:
0x142: {  	(tag) =	ssettag $0x2  }
0x143: {  	s0 =	rddreg [dreg:$0x0];
	s2 =	stileid.u32  }
0x144: {  	s1 =	rddreg [dreg:$0x1];
	p0 =	sne.s32 s2, $0x0  }
0x145: {  	s3 =	rddreg [dreg:$0x2];
	[bflag:$0x3] =	sbarrier.arrive $0xFFFF;
	s2 =	simm.s32 @!p0 $0x1C11  }
0x146: {  	[timem:s3], [sflag:s2] =	dma.local @!p0 [hbm:s0], s1  }
0x147: {  	s0 =	simm.s32 @!p0 $0x11  }
0x148: {  	_ =	swait.ge @!p0 [sflag:s0], s1  }
0x149: {  	s1 =	ssub.s32 @!p0 $0x0, s1;
	[sflag:s0] =	ssyncset.done @!p0 $0x0  }
0x14a: {  	[sflag:s0] =	ssyncadd.s32 @!p0 s1  }
0x14b: {  	[bflag:$0x3] =	sbarrier.arrive $0xFFFF  }
0x14c: {  	_ =	shalt  }

// kernel: sparse-core-data-format-call.cloned.1.call-start
scs
called_computation_lowered:
.L_overlay_start_0:
0x0: {  	s2 =	sld [smem:$0x3FD9]  }
0x1: {  	s3 =	sld [smem:$0x3FFE];
	_ =	sdelay $0x1  }
0x2: {  	s1 =	srdreg.scid  }
0x3: {  	s0 =	sand.u32 $0x1, s1  }
0x4: {  	s18 =	sshll.u32 s0, $0xA;
	s2 =	sadd.s32 s3, s2  }
0x5: {  	s2 =	sadd.s32 s2, s18  }
0x6: {  	[smem:$0x3FC6] =	sst s2  }
0x7: {  	_ = 	snop  }
0x8: {  	s2 =	sld [smem:$0x3FD0];
	(tm) =	ssettm $0x1  }
0x9: {  	s19 =	sld [smem:$0x3FFB];
	_ =	sdelay $0x3  }
0xa: {  	_ =	strace s19  }
0xb: {  	s3 =	sld [smem:$0x3FFC];
	_ =	sdelay $0x3  }
0xc: {  	_ =	strace s3  }
0xd: {  	s3 =	sld [smem:$0x3FFD];
	_ =	sdelay $0x3  }
0xe: {  	_ =	strace s3  }
0xf: {  	_ =	strace $0x8FFFFFFF  }
0x10: {  	s20 =	sld [smem:$0x3FDB];
	_ =	sdelay $0x1  }
0x11: {  	s4 =	simm.s32 $_scs_section_size  }
0x12: {  	s5 =	simm.s32 $_size__tile_overlayer_lowered;
	s6 =	simm.s32 $_tile_overlayer_lowered  }
0x13: {  	s23 =	simm.s32 $0x1BFF;
	s22 =	sshll.u32 s6, $0x1;
	s3 =	sadd.s32 s4, s20  }
0x14: {  	s7 =	simm.s32 $0x0;
	s21 =	sshll.u32 s5, $0x1;
	s5 =	sadd.s32 s22, s3  }
0x15: {  	[timem:s7], [sflag:s23] =	dma.local [hbm:s5], s21  }
0x16: {  	_ =	swait.ge [sflag:s23], s21  }
0x17: {  	s4 =	ssub.s32 $0x0, s21;
	[sflag:s23] =	ssyncset.done $0x0  }
0x18: {  	[sflag:s23] =	ssyncadd.s32 s4;
	_ =	sdelay $0x1  }
0x19: {  	s24 =	simm.s32 $0x1B8B  }
0x1a: {  	_ =	swait.ge [sflag:s24], $0x1  }
0x1b: {  	[sflag:s24] =	ssyncset.done $0x0  }
0x1c: {  	s26 =	simm.s32 $0x1B8E;
	s25 =	sld [smem:$0x3FFE];
	[sflag:s24] =	ssyncadd.s32 $0xFFFFFFFF  }
0x1d: {  	s27 =	simm.s32 $execute0_lowered;
	[smem:$0x3FD2] =	sst s26  }
0x1e: {  	s5 =	sshll.u32 s27, $0x1;
	_ =	strace $0x80000049;
	[dreg:$0x1] =	wrdreg $0xFFFFFFFF  }
0x1f: {  	s28 =	simm.s32 $_size_execute0_lowered;
	s3 =	sadd.s32 s3, s5;
	[dreg:$0x0] =	wrdreg $0x0  }
0x20: {  	s5 =	sshll.u32 s28, $0x1;
	[dreg:$0x2] =	wrdreg s3  }
0x21: {  	[dreg:$0x3] =	wrdreg s5  }
0x22: {  	[dreg:$0x4] =	wrdreg $0xC0  }
0x23: {  	_ =	task [dreg:s7], $0x5FFFF  }
0x24: {  	[dreg:$0x1] =	wrdreg $0xFFFFFFFF  }
0x25: {  	[dreg:$0x0] =	wrdreg $0x60  }
0x26: {  	[dreg:$0x2] =	wrdreg s25  }
0x27: {  	[dreg:$0x3] =	wrdreg s2  }
0x28: {  	[dreg:$0x4] =	wrdreg $0x9  }
0x29: {  	_ =	task.clear_ibuf [dreg:s7], $0x5FFFF;
	_ =	strace $0x90000049  }
0x2a: {  	s29 =	simm.s32 $0x9;
	_ =	strace $0x8000004B  }
0x2b: {  	_ =	swait.ge [sflag:s29], $0x1  }
0x2c: {  	[sflag:s29] =	ssyncadd.s32 $0xFFFFFFFF  }
0x2d: {  	_ =	strace $0x9000004B  }
0x2e: {  	_ =	sfence  }
0x2f: {  	s30 =	sld [smem:$0x0];
	_ =	sdelay $0x2  }
0x30: {  	s31 =	sshll.u32 s1, $0xD;
	s1 =	sshrl.u32 s1, $0x2  }
0x31: {  	s3 =	sand.u32 $0x4000, s31;
	s1 =	sadd.s32 s1, s30  }
0x32: {  	s0 =	sor.u32 s3, s0;
	s1 =	sshll.u32 s1, $0x11  }
0x33: {  	s0 =	sor.u32 s1, s0  }
0x34: {  	s0 =	sadd.s32 $0x8F2B, s0  }
0x35: {  	[sflag:s0] =	ssyncadd.remote.s32 $0x1  }
0x36: {  	_ =	sfence.sel $0xFFFF  }
0x37: {  	[dreg:$0x0] =	wrdreg $0xFFFFFFFF;
	(pc) =	sbr.abs _section_cstart, $3  }
0x38: {  	[dreg:$0x1] =	wrdreg $0xFFFFFFFF  }
0x39: {  	_ =	task.clear_ibuf [dreg:s7], $0x2FFFF;
	_ =	strace $0x9FFFFFFF  }
0x3a: {  	(tm) =	ssettm $0x7FFFFFFF  }
0x3b: {  	_ =	shalt  }
tec
execute0_lowered:
.L_overlay_start_1:
0x0: {  	(tag) =	ssettag $0x1  }
0x1: {  	s0 =	srdreg.scid  }
0x2: {  	s1 =	sshll.u32 s0, $0x4  }
0x3: {  	s0 =	stileid.u32;
	s1 =	sand.u32 $0x10, s1  }
0x4: {  	s1 =	sor.u32 s0, s1  }
0x5: {  	s6 =	rddreg [dreg:$0x0];
	s4 =	simm.s32 $0x1;
	s2 =	sshll.u32 s1, $0x7  }
0x6: {  	s7 =	simm.s32 $0x2;
	s12 =	simm.s32 $0x0;
	s1 =	ssub.s32 $0x1000, s2  }
0x7: {  	s8 =	simm.s32 $0x8000;
	s13 =	simm.s32 $0x0;
	s3 =	sand.u32 $0xF80, s1  }
0x8: {  	s9 =	simm.s32 $0x0;
	s5 =	sshrl.u32 s1, $0xC;
	p0 =	sne.s32 s3, $0x0  }
.Ltmp0:
0x9: {  	s1 =	rddreg [dreg:$0x2];
	s4 =	simm.s32 @!p0 $0x0;
	(pc) =	sbr.rel .LBB1_1-.Ltmp0, $4  }
0xa: {  	s11 =	simm.s32 $0x0;
	s3 =	rddreg [dreg:$0x1];
	s5 =	sadd.s32 s4, s5  }
0xb: {  	_ =	strace $0x8000004A;
	s4 =	simm.s32 $0x1;
	s5 =	smul.u32 $0xC8, s5  }
0xc: {  	s6 =	sadd.s32 $0x800, s6;
	s10 =	smov.u32 s2;
	[sflag:s4] =	ssyncpa.u1 $0x0  }
0xd: {  	p0 =	por $0x0, $0x0;
	[sflag:s7] =	ssyncpa.u1 $0x0;
	s7 =	sor.u32 $0x1, s5  }
.LBB1_4:
0xe: {  	s16 =	sshll.u32 s13, $0x3;
	s17 =	sand.u32 $0x78, s13  }
0xf: {  	s30 =	sand.u32 $0x7E00, s13;
	s12 =	sshll.u32 s12, $0xF;
	s16 =	sand.u32 $0xC00, s16  }
0x10: {  	[tilespmem:s15+$0x810 ss:$0x81] =	vst.msk $0xffff, v2;
	s31 =	sand.u32 $0x7, s13;
	s16 =	sor.u32 s17, s16;
	s17 =	sadd.s32 s3, s30  }
0x11: {  	[tilespmem:s15+$0x1020 ss:$0x81] =	vst.msk $0xffff, v0;
	s13 =	sshll.u32 s31, $0x12;
	s12 =	sadd.s32 s12, s17;
	s16 =	sshrl.u32 s16, $0x3  }
0x12: {  	[tilespmem:s15+$0x0 ss:$0x81] =	vst.msk $0xffff, v1;
	s13 =	sor.u32 $0x400, s13;
	s12 =	sadd.s32 s16, s12  }
0x13: {  	[hbm4b:s12+s13] =	stream.strided.scatter [tilespmem:s14], [sflag:$0x2], $0x2000, s8, s13, $0x20;
	[tilespmem:$0x8080] =	vst v63  }
.LBB1_5:
0x14: {  	s14 =	sadd.s32 $0x1, s9  }
0x15: {  	s12 =	sadd.s32 $0x1000, s10;
	s16 =	smov.u32 s10;
	p2 =	sgt.s32 s14, $0xC7  }
0x16: {  	s16 =	smov.u32 @p2 s12  }
0x17: {  	s14 =	simm.s32 @p2 $0x0;
	p2 =	sgt.s32 s16, $0xFFF  }
0x18: {  	s16 =	smov.u32 @p2 s2;
	p2 =	sne.s32 s11, s7  }
.Ltmp1:
0x19: {  	p1 =	slt.u32 s11, $0x2;
	(pc) =	sbr.rel @!p2 .LBB1_6-.Ltmp1, $4  }
0x1a: {  	s15 =	simm.s32 @!p1 $0x2  }
0x1b: {  	s13 =	smov.u32 s10;
	p0 =	por !p0, !p0;
	_ =	swait.ge @!p1 [sflag:s15], $0x2000  }
0x1c: {  	s12 =	smov.u32 s9;
	[sflag:s15] =	ssyncset.done @!p1 $0x0;
	s9 =	smov.u32 s14  }
0x1d: {  	s11 =	sadd.s32 $0x1, s11;
	[sflag:s15] =	ssyncadd.s32 @!p1 $0xFFFFE000;
	s10 =	smov.u32 s16  }
.LBB1_1:
0x1e: {  	p1 =	sge.u32 s11, s5  }
0x1f: {  	s14 =	sand.u32 @!p1 $0x1FFFFFF, s9  }
0x20: {  	s15 =	smulhi.u32 @!p1 $0x147AE15, s14;
	_ =	sdelay $0x1  }
0x21: {  	s15 =	smul.u32 @!p1 $0xC8, s15  }
0x22: {  	s16 =	sxor.u32 @!p1 $0xFFFFFFFF, s11;
	s17 =	smul.u32 @!p1 $0xC80, s10  }
0x23: {  	s31 =	sadd.s32 $0xFFFFFFFF, s11;
	s16 =	sshll.u32 @!p1 s16, $0xD;
	s14 =	ssub.s32 @!p1 s14, s15  }
0x24: {  	s15 =	sand.u32 @!p1 $0x2000, s16;
	s16 =	sadd.s32 @!p1 s6, s17;
	s14 =	sshll.u32 @!p1 s14, $0x4  }
0x25: {  	s17 =	simm.s32 @!p1 $0x6400;
	s14 =	sadd.s32 @!p1 s14, s16;
	s16 =	simm.s32 @!p1 $0x40  }
0x26: {  	[tilespmem:s15], [sflag:$0x1] =	stream.strided.gather @!p1 [hbm4b:s14+s16], $0x2000, s17, s16, $0x38;
	[tilespmem:$0x8080] =	vst v63  }
0x27: {  	p1 =	sge.u32 s31, s5  }
.Ltmp2:
0x28: {  	_ = 	snop;
	(pc) =	sbr.rel @p1 .LBB1_5-.Ltmp2, $1  }
0x29: {  	_ =	sdelay $0x3  }
0x2a: {  	s14 =	simm.s32 $0x1  }
0x2b: {  	_ =	swait.ge [sflag:s4], $0x2000;
	s14 =	simm.s32 @!p0 $0x0  }
0x2c: {  	[sflag:s4] =	ssyncset.done $0x0;
	s15 =	sshll.u32 s14, $0xD  }
0x2d: {  	[sflag:s4] =	ssyncadd.s32 $0xFFFFE000;
	s18 =	sor.u32 $0x20, s15  }
0x2e: {  	s14 =	smul.u32 $0x8100, s14;
	v3 =	vld [tilespmem:s18+$0x10]  }
0x2f: {  	s30 =	sand.u32 $0x1, s11;
	v2 =	vld [tilespmem:s18+$0xFFFFFFF0]  }
0x30: {  	s15 =	smul.u32 $0x8100, s30;
	s14 =	sshrl.u32 s14, $0x2;
	v0 =	vld [tilespmem:s18+$0x0]  }
0x31: {  	v1 =	vld [tilespmem:s18+$0xFFFFFFE0];
	s16 =	sor.u32 $0x4000, s14  }
0x32: {  	s31 =	sshrl.u32 s15, $0x2;
	s15 =	sadd.s32 $0x0, s16  }
0x33: {  	s17 =	simm.s32 $0x4;
	s18 =	sadd.s32 $0x40, s18;
	s14 =	sor.u32 $0x4000, s31;
	[tilespmem:s15+$0x1830 ss:$0x81] =	vst.msk $0xffff, v3  }
.LBB1_3:
0x34: {  	v3 =	vld [tilespmem:s18+$0x10];
	p1 =	sne.s32 s17, $0x1FC;
	[tilespmem:s15+$0x810 ss:$0x81] =	vst.msk $0xffff, v2;
	s19 =	smov.u32 s17;
	s17 =	sadd.s32 $0x4, s17  }
.Ltmp3:
0x35: {  	v2 =	vld [tilespmem:s18+$0xFFFFFFF0];
	[tilespmem:s15+$0x1020 ss:$0x81] =	vst.msk $0xffff, v0;
	(pc) =	sbr.rel @p1 .LBB1_3-.Ltmp3, $4  }
0x36: {  	v0 =	vld [tilespmem:s18+$0x0];
	[tilespmem:s15+$0x0 ss:$0x81] =	vst.msk $0xffff, v1  }
0x37: {  	s15 =	sshra.s32 s19, $0x2;
	v1 =	vld [tilespmem:s18+$0xFFFFFFE0]  }
0x38: {  	s15 =	sadd.s32 s15, s16  }
0x39: {  	s18 =	sadd.s32 $0x40, s18;
	[tilespmem:s15+$0x1830 ss:$0x81] =	vst.msk $0xffff, v3  }
.Ltmp4:
0x3a: {  	_ = 	snop;
	(pc) =	sbr.rel .LBB1_4-.Ltmp4, $1  }
0x3b: {  	_ =	sdelay $0x3  }
.LBB1_6:
0x3c: {  	_ =	sfence.sel $0x180000  }
0x3d: {  	s2 =	simm.s32 $0x1;
	[bflag:$0x0] =	sbarrier.arrive $0xFFFF  }
0x3e: {  	s31 =	simm.s32 $0x2;
	[sflag:s2] =	ssyncpa.u1 $0x1  }
0x3f: {  	[sflag:s31] =	ssyncpa.u1 $0x1  }
0x40: {  	p0 =	sne.s32 s0, $0x0;
	_ =	strace $0x9000004A  }
0x41: {  	s0 =	sadd.s32 @!p0 $0x100000, s1;
	[bflag:$0x2] =	sbarrier.arrive $0xFFFF  }
0x42: {  	[sflag:s0] =	ssyncadd.tile.s32 @!p0 $0x1;
	_ =	shalt  }
.Lfunc_end1:
_tile_overlayer_lowered:
.L_overlay_start_2:
0x43: {  	(tag) =	ssettag $0x2  }
0x44: {  	s0 =	rddreg [dreg:$0x0];
	s2 =	stileid.u32  }
0x45: {  	s1 =	rddreg [dreg:$0x1];
	p0 =	sne.s32 s2, $0x0  }
0x46: {  	s3 =	rddreg [dreg:$0x2];
	[bflag:$0x3] =	sbarrier.arrive $0xFFFF;
	s2 =	simm.s32 @!p0 $0x1C01  }
0x47: {  	[timem:s3], [sflag:s2] =	dma.local @!p0 [hbm:s0], s1  }
0x48: {  	s0 =	simm.s32 @!p0 $0x1  }
0x49: {  	_ =	swait.ge @!p0 [sflag:s0], s1  }
0x4a: {  	s1 =	ssub.s32 @!p0 $0x0, s1;
	[sflag:s0] =	ssyncset.done @!p0 $0x0  }
0x4b: {  	[sflag:s0] =	ssyncadd.s32 @!p0 s1  }
0x4c: {  	[bflag:$0x3] =	sbarrier.arrive $0xFFFF  }
0x4d: {  	_ =	shalt  }

</sc_bundles>
